<compile_context>
chip_gen: v7x
topology: tpu7x:2x2x1
jax: 0.10.2.dev20260603
libtpu: 0.0.44.dev20260713+nightly
codegen_flags: <defaults>
</compile_context>

<pallas_src>
import functools
import jax
import jax.numpy as jnp
from jax import lax
from jax.experimental import pallas as pl
from jax.experimental.pallas import tpu as pltpu
from jax.experimental.pallas import tpu_sc as plsc

NC = 2
NS = 16
L = 16
NW = NC * NS
CH = 80


def _make_sc_aggregate(n_nodes, n_edges, dim):
    assert n_edges % NW == 0
    ept = n_edges // NW
    assert ept % CH == 0
    nch = ept // CH
    assert n_nodes % CH == 0
    nzch = n_nodes // CH

    mesh = plsc.VectorSubcoreMesh(
        core_axis_name="c", subcore_axis_name="s",
        num_cores=NC, num_subcores=NS)

    @functools.partial(
        pl.kernel,
        out_type=[
            jax.ShapeDtypeStruct((NC, n_nodes, dim), jnp.float32),
            jax.ShapeDtypeStruct((NW * n_nodes,), jnp.float32),
        ],
        mesh=mesh,
        compiler_params=pltpu.CompilerParams(needs_layout_passes=False),
        scratch_types=[
            pltpu.VMEM((ept,), jnp.int32),
            pltpu.VMEM((ept,), jnp.int32),
            pltpu.VMEM((CH,), jnp.int32),
            pltpu.VMEM((CH,), jnp.int32),
            pltpu.VMEM((CH, dim), jnp.float32),
            pltpu.VMEM((CH, dim), jnp.float32),
            pltpu.VMEM((n_nodes,), jnp.float32),
            pltpu.VMEM_SHARED((n_nodes, dim), jnp.float32),
            pltpu.SemaphoreType.DMA,
            pltpu.SemaphoreType.DMA,
        ],
    )
    def sc_agg(ei_hbm, emb_hbm, agg_out, deg_out,
               src_v, dst_v, dst_idx_a, dst_idx_b, rows_a, rows_b,
               deg_v, agg_sh, sem_a, sem_b):
        c = lax.axis_index("c")
        s = lax.axis_index("s")
        wid = c * NS + s
        base = wid * ept

        pltpu.async_copy(ei_hbm.at[pl.ds(base, ept)], src_v, sem_a)
        pltpu.async_copy(ei_hbm.at[pl.ds(n_edges + base, ept)], dst_v, sem_b)

        zeros16 = jnp.zeros((L,), jnp.float32)

        def zb_body(i, _):
            rows_a[i // (dim // L), pl.ds((i % (dim // L)) * L, L)] = zeros16
            return 0
        lax.fori_loop(0, CH * (dim // L), zb_body, 0, unroll=8)

        def zd_body(i, _):
            deg_v[pl.ds(i * L, L)] = zeros16
            return 0
        lax.fori_loop(0, n_nodes // L, zd_body, 0, unroll=8)

        def zs_body(k, _):
            @pl.when(k * NS + s < nzch)
            def _():
                r0 = (k * NS + s) * CH
                pltpu.sync_copy(rows_a, agg_sh.at[pl.ds(r0, CH)])
            return 0
        lax.fori_loop(0, pl.cdiv(nzch, NS), zs_body, 0)

        pltpu.make_async_copy(ei_hbm.at[pl.ds(base, ept)], src_v, sem_a).wait()
        pltpu.make_async_copy(ei_hbm.at[pl.ds(n_edges + base, ept)], dst_v,
                              sem_b).wait()

        plsc.subcore_barrier()

        ones16 = jnp.full((L,), 1.0, jnp.float32)

        def stage(j, dst_idx):
            for i in range(CH // L):
                dst_idx[pl.ds(i * L, L)] = dst_v[pl.ds(j * CH + i * L, L)]

        def gather_start(j, rows):
            return pltpu.async_copy(
                emb_hbm.at[src_v.at[pl.ds(j * CH, CH)]], rows,
                sem_a if rows is rows_a else sem_b)

        def gather_wait(j, rows):
            pltpu.make_async_copy(
                emb_hbm.at[src_v.at[pl.ds(j * CH, CH)]], rows,
                sem_a if rows is rows_a else sem_b).wait()

        def consume(j, rows, dst_idx):
            gather_wait(j, rows)
            pltpu.sync_copy(rows, agg_sh.at[dst_idx], add=True)
            for i in range(CH // L):
                plsc.addupdate_scatter(deg_v, [dst_idx[pl.ds(i * L, L)]], ones16)

        assert nch % 2 == 1
        stage(0, dst_idx_a)
        gather_start(0, rows_a)

        def chunk_body(jj, _):
            j0 = jj * 2
            stage(j0 + 1, dst_idx_b)
            gather_start(j0 + 1, rows_b)
            consume(j0, rows_a, dst_idx_a)
            stage(j0 + 2, dst_idx_a)
            gather_start(j0 + 2, rows_a)
            consume(j0 + 1, rows_b, dst_idx_b)
            return 0
        lax.fori_loop(0, (nch - 1) // 2, chunk_body, 0)
        consume(nch - 1, rows_a, dst_idx_a)

        plsc.subcore_barrier()

        pltpu.async_copy(deg_v, deg_out.at[pl.ds(wid * n_nodes, n_nodes)], sem_a)

        def co_body(k, _):
            @pl.when(k * NS + s < nzch)
            def _():
                r0 = (k * NS + s) * CH
                pltpu.sync_copy(agg_sh.at[pl.ds(r0, CH)],
                                agg_out.at[c, pl.ds(r0, CH)])
            return 0
        lax.fori_loop(0, pl.cdiv(nzch, NS), co_body, 0)
        pltpu.make_async_copy(deg_v, deg_out.at[pl.ds(wid * n_nodes, n_nodes)],
                              sem_a).wait()

    return sc_agg


def _make_tc_right(n_nodes, dim, hdim, blk):
    nblk = n_nodes // blk

    def tc_body(emb_ref, wr_ref, bl_ref, out_ref):
        out_ref[...] = (
            jnp.dot(emb_ref[...], wr_ref[...], preferred_element_type=jnp.float32)
            + bl_ref[...]
        )

    return pl.pallas_call(
        tc_body,
        grid=(nblk,),
        in_specs=[
            pl.BlockSpec((blk, dim), lambda i: (i, 0)),
            pl.BlockSpec((dim, hdim), lambda i: (0, 0)),
            pl.BlockSpec((1, hdim), lambda i: (0, 0)),
        ],
        out_specs=pl.BlockSpec((blk, hdim), lambda i: (i, 0)),
        out_shape=jax.ShapeDtypeStruct((n_nodes, hdim), jnp.float32),
    )


def _make_tc_combine(n_nodes, dim, hdim):
    def tc_body(agg_ref, deg_ref, outr_ref, wl_ref, out_ref):
        agg = agg_ref[0] + agg_ref[1]
        deg = jnp.sum(deg_ref[...], axis=0)
        deg = jnp.maximum(deg, 1.0)
        mean = agg * (1.0 / deg)[:, None]
        out_ref[...] = (
            jnp.dot(mean, wl_ref[...], preferred_element_type=jnp.float32)
            + outr_ref[...]
        )

    return pl.pallas_call(
        tc_body,
        out_shape=jax.ShapeDtypeStruct((n_nodes, hdim), jnp.float32),
    )


def kernel(x, edge_index, emb_weight, W_l, b_l, W_r):
    del x
    n_nodes, dim = emb_weight.shape
    n_edges = edge_index.shape[1]
    hdim = W_l.shape[1]

    ei_flat = edge_index.reshape(2 * n_edges)

    sc_agg = _make_sc_aggregate(n_nodes, n_edges, dim)
    agg_p, deg_p = sc_agg(ei_flat, emb_weight)
    deg2 = deg_p.reshape(NW, n_nodes)

    out_r = _make_tc_right(n_nodes, dim, hdim, blk=2000)(
        emb_weight, W_r, b_l.reshape(1, hdim))
    tc_combine = _make_tc_combine(n_nodes, dim, hdim)
    return tc_combine(agg_p, deg2, out_r, W_l)

# --- scband reference (transcript-rebuilt; emitter-appended) ---
"""Pipeline reference for scband-sage-69724499083377 (READ-ONLY COPY).

The authoritative reference and input builder live on the scoring server;
editing this copy changes nothing except your own understanding.
"""

import jax, jax.numpy as jnp
import numpy as np

N = 10000
E = 320000
D = 128
H = 128

def setup_inputs(seed: int = 0):
    key = jax.random.key(seed)
    k1, k2, k3, k4, k5, k6 = jax.random.split(key, 6)
    x = jax.random.normal(k1, (N, D), dtype=jnp.float32)
    edge_index = jax.random.randint(k2, (2, E), 0, N, dtype=jnp.int32)
    # learned parameters
    emb_weight = jax.random.normal(k3, (N, D), dtype=jnp.float32) * (1.0 / np.sqrt(D))
    W_l = jax.random.normal(k4, (D, H), dtype=jnp.float32) * (1.0 / np.sqrt(D))
    b_l = jnp.zeros((H,), dtype=jnp.float32)
    W_r = jax.random.normal(k5, (D, H), dtype=jnp.float32) * (1.0 / np.sqrt(D))
    return {"x": x, "edge_index": edge_index, "emb_weight": emb_weight,
            "W_l": W_l, "b_l": b_l, "W_r": W_r}

def reference(x, edge_index, emb_weight, W_l, b_l, W_r):
    # forward replaces x with self.emb.weight
    h = emb_weight
    # dropout skipped (eval mode / training=False)
    src = edge_index[0]
    dst = edge_index[1]
    # SAGEConv with mean aggregation: out = lin_l(mean_{j in N(i)} h_j) + lin_r(h_i)
    msgs = jnp.take(h, src, axis=0)
    agg = jax.ops.segment_sum(msgs, dst, num_segments=N)
    deg = jax.ops.segment_sum(jnp.ones((E,), dtype=jnp.float32), dst, num_segments=N)
    agg = agg / jnp.clip(deg, 1.0, None)[:, None]
    out = agg @ W_l + b_l + h @ W_r
    return out

if __name__ == "__main__":
    import jax
    _d = setup_inputs()
    print(jax.jit(kernel)(*tuple(_d.values())))

</pallas_src>

<mosaic_0001>
#map = affine_map<(d0, d1) -> (0)>
#map1 = affine_map<(d0, d1) -> (0, 0)>
#map2 = affine_map<(d0, d1) -> (0, 0, 0)>
module attributes {stable_mosaic.version = 14 : i64} {
  func.func @sc_agg(%arg0: i32, %arg1: i32, %arg2: memref<640000xi32, #tpu.memory_space<hbm>>, %arg3: memref<10000x128xf32, #tpu.memory_space<hbm>>, %arg4: memref<2x10000x128xf32, #tpu.memory_space<hbm>>, %arg5: memref<320000xf32, #tpu.memory_space<hbm>>, %arg6: memref<10000xi32, #tpu.memory_space<vmem>>, %arg7: memref<10000xi32, #tpu.memory_space<vmem>>, %arg8: memref<80xi32, #tpu.memory_space<vmem>>, %arg9: memref<80xi32, #tpu.memory_space<vmem>>, %arg10: memref<80x128xf32, #tpu.memory_space<vmem>>, %arg11: memref<80x128xf32, #tpu.memory_space<vmem>>, %arg12: memref<10000xf32, #tpu.memory_space<vmem>>, %arg13: memref<10000x128xf32, #tpu.memory_space<vmem_shared>>, %arg14: memref<!tpu.dma_semaphore, #tpu.memory_space<semaphore_mem>>, %arg15: memref<!tpu.dma_semaphore, #tpu.memory_space<semaphore_mem>>) attributes {dimension_semantics = [#tpu.dimension_semantics<core_parallel>, #tpu.dimension_semantics<subcore_parallel>], iteration_bounds = array<i64: 2, 16>, scalar_prefetch = 0 : i64, scratch_operands = 10 : i64, tpu.core_type = #tpu.core_type<sc_vector_subcore>, window_params = [{transform_indices = #map}, {transform_indices = #map1}, {transform_indices = #map2}, {transform_indices = #map}]} {
    %mul3A = arith.constant 16 : i32
    %mul3A_0 = arith.muli %arg0, %mul3A : i32
    %add3A = arith.addi %mul3A_0, %arg1 : i32
    %mul3A_1 = arith.constant 10000 : i32
    %mul3A_2 = arith.muli %add3A, %mul3A_1 : i32
    %dma_start3A = tpu.memref_slice %arg2[%mul3A_2] : memref<640000xi32, #tpu.memory_space<hbm>> -> memref<10000xi32, #tpu.memory_space<hbm>>
    %dma_start3A_3 = tpu.memref_slice %arg2[%mul3A_2] : memref<640000xi32, #tpu.memory_space<hbm>> -> memref<10000xi32, #tpu.memory_space<hbm>>
    tpu.enqueue_dma source(%dma_start3A_3 : memref<10000xi32, #tpu.memory_space<hbm>>) target(%arg6 : memref<10000xi32, #tpu.memory_space<vmem>>) target_semaphore(%arg14 : memref<!tpu.dma_semaphore, #tpu.memory_space<semaphore_mem>>)
    %add3A_4 = arith.constant 320000 : i32
    %add3A_5 = arith.addi %add3A_4, %mul3A_2 : i32
    %dma_start3A_6 = tpu.memref_slice %arg2[%add3A_5] : memref<640000xi32, #tpu.memory_space<hbm>> -> memref<10000xi32, #tpu.memory_space<hbm>>
    %dma_start3A_7 = tpu.memref_slice %arg2[%add3A_5] : memref<640000xi32, #tpu.memory_space<hbm>> -> memref<10000xi32, #tpu.memory_space<hbm>>
    tpu.enqueue_dma source(%dma_start3A_7 : memref<10000xi32, #tpu.memory_space<hbm>>) target(%arg7 : memref<10000xi32, #tpu.memory_space<vmem>>) target_semaphore(%arg15 : memref<!tpu.dma_semaphore, #tpu.memory_space<semaphore_mem>>)
    %broadcast_in_dim3A = arith.constant 0.000000e+00 : f32
    %broadcast_in_dim3A_8 = vector.broadcast %broadcast_in_dim3A : f32 to vector<16xf32>
    %scan3A = arith.constant 0 : i32
    %scan3A_9 = arith.constant 0 : i32
    %scan3A_10 = arith.constant 640 : i32
    %scan3A_11 = arith.addi %scan3A_9, %scan3A_10 : i32
    %scan3A_12 = arith.constant 8 : i32
    %scan3A_13 = scf.for %scan3A_104 = %scan3A_9 to %scan3A_11 step %scan3A_12 iter_args(%scan3A_105 = %scan3A) -> (i32)  : i32 {
      %jit3A = arith.constant 8 : i32
      %div3A = arith.divsi %scan3A_104, %jit3A : i32
      %sign3A = arith.constant 0 : i32
      %sign3A_106 = arith.cmpi sgt, %scan3A_104, %sign3A : i32
      %sign3A_107 = arith.extui %sign3A_106 : i1 to i32
      %sign3A_108 = arith.constant 0 : i32
      %sign3A_109 = arith.cmpi slt, %scan3A_104, %sign3A_108 : i32
      %sign3A_110 = arith.extui %sign3A_109 : i1 to i32
      %sign3A_111 = arith.subi %sign3A_107, %sign3A_110 : i32
      %sign3A_112 = arith.constant 0 : i32
      %sign3A_113 = arith.cmpi sgt, %jit3A, %sign3A_112 : i32
      %sign3A_114 = arith.extui %sign3A_113 : i1 to i32
      %sign3A_115 = arith.constant 0 : i32
      %sign3A_116 = arith.cmpi slt, %jit3A, %sign3A_115 : i32
      %sign3A_117 = arith.extui %sign3A_116 : i1 to i32
      %sign3A_118 = arith.subi %sign3A_114, %sign3A_117 : i32
      %ne3A = arith.cmpi ne, %sign3A_111, %sign3A_118 : i32
      %rem3A = arith.remsi %scan3A_104, %jit3A : i32
      %ne3A_119 = arith.constant 0 : i32
      %ne3A_120 = arith.cmpi ne, %rem3A, %ne3A_119 : i32
      %and3A = arith.andi %ne3A, %ne3A_120 : i1
      %sub3A = arith.constant 1 : i32
      %sub3A_121 = arith.subi %div3A, %sub3A : i32
      %select_n3A = arith.select %and3A, %sub3A_121, %div3A : i32
      %jit3A_122 = arith.constant 8 : i32
      %eq3A = arith.constant 0 : i32
      %eq3A_123 = arith.cmpi eq, %jit3A_122, %eq3A : i32
      %jit3A_124 = arith.constant 1 : i32
      %select_n3A_125 = arith.select %eq3A_123, %jit3A_124, %jit3A_122 : i32
      %rem3A_126 = arith.remsi %scan3A_104, %select_n3A_125 : i32
      %ne3A_127 = arith.constant 0 : i32
      %ne3A_128 = arith.cmpi ne, %rem3A_126, %ne3A_127 : i32
      %lt3A = arith.constant 0 : i32
      %lt3A_129 = arith.cmpi slt, %rem3A_126, %lt3A : i32
      %lt3A_130 = arith.constant 0 : i32
      %lt3A_131 = arith.cmpi slt, %select_n3A_125, %lt3A_130 : i32
      %ne3A_132 = arith.xori %lt3A_129, %lt3A_131 : i1
      %and3A_133 = arith.andi %ne3A_132, %ne3A_128 : i1
      %add3A_134 = arith.addi %rem3A_126, %select_n3A_125 : i32
      %select_n3A_135 = arith.select %and3A_133, %add3A_134, %rem3A_126 : i32
      %mul3A_136 = arith.constant 16 : i32
      %mul3A_137 = arith.muli %select_n3A_135, %mul3A_136 : i32
      %swap3A_138 = arith.index_cast %select_n3A : i32 to index
      %swap3A_139 = arith.index_cast %mul3A_137 : i32 to index
      %swap3A_140 = tpu.vector_load %arg10[%swap3A_138, %swap3A_139] {strides = array<i32>} : memref<80x128xf32, #tpu.memory_space<vmem>>, vector<16xf32>,
      tpu.vector_store %arg10[%swap3A_138, %swap3A_139], %broadcast_in_dim3A_8 {strides = array<i32>} : memref<80x128xf32, #tpu.memory_space<vmem>>, vector<16xf32>,
      %scan3A_141 = arith.constant 0 : i32
      %scan3A_142 = arith.constant 1 : i32
      %scan3A_143 = arith.addi %scan3A_104, %scan3A_142 : i32
      %jit3A_144 = arith.constant 8 : i32
      %div3A_145 = arith.divsi %scan3A_143, %jit3A_144 : i32
      %sign3A_146 = arith.constant 0 : i32
      %sign3A_147 = arith.cmpi sgt, %scan3A_143, %sign3A_146 : i32
      %sign3A_148 = arith.extui %sign3A_147 : i1 to i32
      %sign3A_149 = arith.constant 0 : i32
      %sign3A_150 = arith.cmpi slt, %scan3A_143, %sign3A_149 : i32
      %sign3A_151 = arith.extui %sign3A_150 : i1 to i32
      %sign3A_152 = arith.subi %sign3A_148, %sign3A_151 : i32
      %sign3A_153 = arith.constant 0 : i32
      %sign3A_154 = arith.cmpi sgt, %jit3A_144, %sign3A_153 : i32
      %sign3A_155 = arith.extui %sign3A_154 : i1 to i32
      %sign3A_156 = arith.constant 0 : i32
      %sign3A_157 = arith.cmpi slt, %jit3A_144, %sign3A_156 : i32
      %sign3A_158 = arith.extui %sign3A_157 : i1 to i32
      %sign3A_159 = arith.subi %sign3A_155, %sign3A_158 : i32
      %ne3A_160 = arith.cmpi ne, %sign3A_152, %sign3A_159 : i32
      %rem3A_161 = arith.remsi %scan3A_143, %jit3A_144 : i32
      %ne3A_162 = arith.constant 0 : i32
      %ne3A_163 = arith.cmpi ne, %rem3A_161, %ne3A_162 : i32
      %and3A_164 = arith.andi %ne3A_160, %ne3A_163 : i1
      %sub3A_165 = arith.constant 1 : i32
      %sub3A_166 = arith.subi %div3A_145, %sub3A_165 : i32
      %select_n3A_167 = arith.select %and3A_164, %sub3A_166, %div3A_145 : i32
      %jit3A_168 = arith.constant 8 : i32
      %eq3A_169 = arith.constant 0 : i32
      %eq3A_170 = arith.cmpi eq, %jit3A_168, %eq3A_169 : i32
      %jit3A_171 = arith.constant 1 : i32
      %select_n3A_172 = arith.select %eq3A_170, %jit3A_171, %jit3A_168 : i32
      %rem3A_173 = arith.remsi %scan3A_143, %select_n3A_172 : i32
      %ne3A_174 = arith.constant 0 : i32
      %ne3A_175 = arith.cmpi ne, %rem3A_173, %ne3A_174 : i32
      %lt3A_176 = arith.constant 0 : i32
      %lt3A_177 = arith.cmpi slt, %rem3A_173, %lt3A_176 : i32
      %lt3A_178 = arith.constant 0 : i32
      %lt3A_179 = arith.cmpi slt, %select_n3A_172, %lt3A_178 : i32
      %ne3A_180 = arith.xori %lt3A_177, %lt3A_179 : i1
      %and3A_181 = arith.andi %ne3A_180, %ne3A_175 : i1
      %add3A_182 = arith.addi %rem3A_173, %select_n3A_172 : i32
      %select_n3A_183 = arith.select %and3A_181, %add3A_182, %rem3A_173 : i32
      %mul3A_184 = arith.constant 16 : i32
      %mul3A_185 = arith.muli %select_n3A_183, %mul3A_184 : i32
      %swap3A_186 = arith.index_cast %select_n3A_167 : i32 to index
      %swap3A_187 = arith.index_cast %mul3A_185 : i32 to index
      %swap3A_188 = tpu.vector_load %arg10[%swap3A_186, %swap3A_187] {strides = array<i32>} : memref<80x128xf32, #tpu.memory_space<vmem>>, vector<16xf32>,
      tpu.vector_store %arg10[%swap3A_186, %swap3A_187], %broadcast_in_dim3A_8 {strides = array<i32>} : memref<80x128xf32, #tpu.memory_space<vmem>>, vector<16xf32>,
      %scan3A_189 = arith.constant 0 : i32
      %scan3A_190 = arith.constant 2 : i32
      %scan3A_191 = arith.addi %scan3A_104, %scan3A_190 : i32
      %jit3A_192 = arith.constant 8 : i32
      %div3A_193 = arith.divsi %scan3A_191, %jit3A_192 : i32
      %sign3A_194 = arith.constant 0 : i32
      %sign3A_195 = arith.cmpi sgt, %scan3A_191, %sign3A_194 : i32
      %sign3A_196 = arith.extui %sign3A_195 : i1 to i32
      %sign3A_197 = arith.constant 0 : i32
      %sign3A_198 = arith.cmpi slt, %scan3A_191, %sign3A_197 : i32
      %sign3A_199 = arith.extui %sign3A_198 : i1 to i32
      %sign3A_200 = arith.subi %sign3A_196, %sign3A_199 : i32
      %sign3A_201 = arith.constant 0 : i32
      %sign3A_202 = arith.cmpi sgt, %jit3A_192, %sign3A_201 : i32
      %sign3A_203 = arith.extui %sign3A_202 : i1 to i32
      %sign3A_204 = arith.constant 0 : i32
      %sign3A_205 = arith.cmpi slt, %jit3A_192, %sign3A_204 : i32
      %sign3A_206 = arith.extui %sign3A_205 : i1 to i32
      %sign3A_207 = arith.subi %sign3A_203, %sign3A_206 : i32
      %ne3A_208 = arith.cmpi ne, %sign3A_200, %sign3A_207 : i32
      %rem3A_209 = arith.remsi %scan3A_191, %jit3A_192 : i32
      %ne3A_210 = arith.constant 0 : i32
      %ne3A_211 = arith.cmpi ne, %rem3A_209, %ne3A_210 : i32
      %and3A_212 = arith.andi %ne3A_208, %ne3A_211 : i1
      %sub3A_213 = arith.constant 1 : i32
      %sub3A_214 = arith.subi %div3A_193, %sub3A_213 : i32
      %select_n3A_215 = arith.select %and3A_212, %sub3A_214, %div3A_193 : i32
      %jit3A_216 = arith.constant 8 : i32
      %eq3A_217 = arith.constant 0 : i32
      %eq3A_218 = arith.cmpi eq, %jit3A_216, %eq3A_217 : i32
      %jit3A_219 = arith.constant 1 : i32
      %select_n3A_220 = arith.select %eq3A_218, %jit3A_219, %jit3A_216 : i32
      %rem3A_221 = arith.remsi %scan3A_191, %select_n3A_220 : i32
      %ne3A_222 = arith.constant 0 : i32
      %ne3A_223 = arith.cmpi ne, %rem3A_221, %ne3A_222 : i32
      %lt3A_224 = arith.constant 0 : i32
      %lt3A_225 = arith.cmpi slt, %rem3A_221, %lt3A_224 : i32
      %lt3A_226 = arith.constant 0 : i32
      %lt3A_227 = arith.cmpi slt, %select_n3A_220, %lt3A_226 : i32
      %ne3A_228 = arith.xori %lt3A_225, %lt3A_227 : i1
      %and3A_229 = arith.andi %ne3A_228, %ne3A_223 : i1
      %add3A_230 = arith.addi %rem3A_221, %select_n3A_220 : i32
      %select_n3A_231 = arith.select %and3A_229, %add3A_230, %rem3A_221 : i32
      %mul3A_232 = arith.constant 16 : i32
      %mul3A_233 = arith.muli %select_n3A_231, %mul3A_232 : i32
      %swap3A_234 = arith.index_cast %select_n3A_215 : i32 to index
      %swap3A_235 = arith.index_cast %mul3A_233 : i32 to index
      %swap3A_236 = tpu.vector_load %arg10[%swap3A_234, %swap3A_235] {strides = array<i32>} : memref<80x128xf32, #tpu.memory_space<vmem>>, vector<16xf32>,
      tpu.vector_store %arg10[%swap3A_234, %swap3A_235], %broadcast_in_dim3A_8 {strides = array<i32>} : memref<80x128xf32, #tpu.memory_space<vmem>>, vector<16xf32>,
      %scan3A_237 = arith.constant 0 : i32
      %scan3A_238 = arith.constant 3 : i32
      %scan3A_239 = arith.addi %scan3A_104, %scan3A_238 : i32
      %jit3A_240 = arith.constant 8 : i32
      %div3A_241 = arith.divsi %scan3A_239, %jit3A_240 : i32
      %sign3A_242 = arith.constant 0 : i32
      %sign3A_243 = arith.cmpi sgt, %scan3A_239, %sign3A_242 : i32
      %sign3A_244 = arith.extui %sign3A_243 : i1 to i32
      %sign3A_245 = arith.constant 0 : i32
      %sign3A_246 = arith.cmpi slt, %scan3A_239, %sign3A_245 : i32
      %sign3A_247 = arith.extui %sign3A_246 : i1 to i32
      %sign3A_248 = arith.subi %sign3A_244, %sign3A_247 : i32
      %sign3A_249 = arith.constant 0 : i32
      %sign3A_250 = arith.cmpi sgt, %jit3A_240, %sign3A_249 : i32
      %sign3A_251 = arith.extui %sign3A_250 : i1 to i32
      %sign3A_252 = arith.constant 0 : i32
      %sign3A_253 = arith.cmpi slt, %jit3A_240, %sign3A_252 : i32
      %sign3A_254 = arith.extui %sign3A_253 : i1 to i32
      %sign3A_255 = arith.subi %sign3A_251, %sign3A_254 : i32
      %ne3A_256 = arith.cmpi ne, %sign3A_248, %sign3A_255 : i32
      %rem3A_257 = arith.remsi %scan3A_239, %jit3A_240 : i32
      %ne3A_258 = arith.constant 0 : i32
      %ne3A_259 = arith.cmpi ne, %rem3A_257, %ne3A_258 : i32
      %and3A_260 = arith.andi %ne3A_256, %ne3A_259 : i1
      %sub3A_261 = arith.constant 1 : i32
      %sub3A_262 = arith.subi %div3A_241, %sub3A_261 : i32
      %select_n3A_263 = arith.select %and3A_260, %sub3A_262, %div3A_241 : i32
      %jit3A_264 = arith.constant 8 : i32
      %eq3A_265 = arith.constant 0 : i32
      %eq3A_266 = arith.cmpi eq, %jit3A_264, %eq3A_265 : i32
      %jit3A_267 = arith.constant 1 : i32
      %select_n3A_268 = arith.select %eq3A_266, %jit3A_267, %jit3A_264 : i32
      %rem3A_269 = arith.remsi %scan3A_239, %select_n3A_268 : i32
      %ne3A_270 = arith.constant 0 : i32
      %ne3A_271 = arith.cmpi ne, %rem3A_269, %ne3A_270 : i32
      %lt3A_272 = arith.constant 0 : i32
      %lt3A_273 = arith.cmpi slt, %rem3A_269, %lt3A_272 : i32
      %lt3A_274 = arith.constant 0 : i32
      %lt3A_275 = arith.cmpi slt, %select_n3A_268, %lt3A_274 : i32
      %ne3A_276 = arith.xori %lt3A_273, %lt3A_275 : i1
      %and3A_277 = arith.andi %ne3A_276, %ne3A_271 : i1
      %add3A_278 = arith.addi %rem3A_269, %select_n3A_268 : i32
      %select_n3A_279 = arith.select %and3A_277, %add3A_278, %rem3A_269 : i32
      %mul3A_280 = arith.constant 16 : i32
      %mul3A_281 = arith.muli %select_n3A_279, %mul3A_280 : i32
      %swap3A_282 = arith.index_cast %select_n3A_263 : i32 to index
      %swap3A_283 = arith.index_cast %mul3A_281 : i32 to index
      %swap3A_284 = tpu.vector_load %arg10[%swap3A_282, %swap3A_283] {strides = array<i32>} : memref<80x128xf32, #tpu.memory_space<vmem>>, vector<16xf32>,
      tpu.vector_store %arg10[%swap3A_282, %swap3A_283], %broadcast_in_dim3A_8 {strides = array<i32>} : memref<80x128xf32, #tpu.memory_space<vmem>>, vector<16xf32>,
      %scan3A_285 = arith.constant 0 : i32
      %scan3A_286 = arith.constant 4 : i32
      %scan3A_287 = arith.addi %scan3A_104, %scan3A_286 : i32
      %jit3A_288 = arith.constant 8 : i32
      %div3A_289 = arith.divsi %scan3A_287, %jit3A_288 : i32
      %sign3A_290 = arith.constant 0 : i32
      %sign3A_291 = arith.cmpi sgt, %scan3A_287, %sign3A_290 : i32
      %sign3A_292 = arith.extui %sign3A_291 : i1 to i32
      %sign3A_293 = arith.constant 0 : i32
      %sign3A_294 = arith.cmpi slt, %scan3A_287, %sign3A_293 : i32
      %sign3A_295 = arith.extui %sign3A_294 : i1 to i32
      %sign3A_296 = arith.subi %sign3A_292, %sign3A_295 : i32
      %sign3A_297 = arith.constant 0 : i32
      %sign3A_298 = arith.cmpi sgt, %jit3A_288, %sign3A_297 : i32
      %sign3A_299 = arith.extui %sign3A_298 : i1 to i32
      %sign3A_300 = arith.constant 0 : i32
      %sign3A_301 = arith.cmpi slt, %jit3A_288, %sign3A_300 : i32
      %sign3A_302 = arith.extui %sign3A_301 : i1 to i32
      %sign3A_303 = arith.subi %sign3A_299, %sign3A_302 : i32
      %ne3A_304 = arith.cmpi ne, %sign3A_296, %sign3A_303 : i32
      %rem3A_305 = arith.remsi %scan3A_287, %jit3A_288 : i32
      %ne3A_306 = arith.constant 0 : i32
      %ne3A_307 = arith.cmpi ne, %rem3A_305, %ne3A_306 : i32
      %and3A_308 = arith.andi %ne3A_304, %ne3A_307 : i1
      %sub3A_309 = arith.constant 1 : i32
      %sub3A_310 = arith.subi %div3A_289, %sub3A_309 : i32
      %select_n3A_311 = arith.select %and3A_308, %sub3A_310, %div3A_289 : i32
      %jit3A_312 = arith.constant 8 : i32
      %eq3A_313 = arith.constant 0 : i32
      %eq3A_314 = arith.cmpi eq, %jit3A_312, %eq3A_313 : i32
      %jit3A_315 = arith.constant 1 : i32
      %select_n3A_316 = arith.select %eq3A_314, %jit3A_315, %jit3A_312 : i32
      %rem3A_317 = arith.remsi %scan3A_287, %select_n3A_316 : i32
      %ne3A_318 = arith.constant 0 : i32
      %ne3A_319 = arith.cmpi ne, %rem3A_317, %ne3A_318 : i32
      %lt3A_320 = arith.constant 0 : i32
      %lt3A_321 = arith.cmpi slt, %rem3A_317, %lt3A_320 : i32
      %lt3A_322 = arith.constant 0 : i32
      %lt3A_323 = arith.cmpi slt, %select_n3A_316, %lt3A_322 : i32
      %ne3A_324 = arith.xori %lt3A_321, %lt3A_323 : i1
      %and3A_325 = arith.andi %ne3A_324, %ne3A_319 : i1
      %add3A_326 = arith.addi %rem3A_317, %select_n3A_316 : i32
      %select_n3A_327 = arith.select %and3A_325, %add3A_326, %rem3A_317 : i32
      %mul3A_328 = arith.constant 16 : i32
      %mul3A_329 = arith.muli %select_n3A_327, %mul3A_328 : i32
      %swap3A_330 = arith.index_cast %select_n3A_311 : i32 to index
      %swap3A_331 = arith.index_cast %mul3A_329 : i32 to index
      %swap3A_332 = tpu.vector_load %arg10[%swap3A_330, %swap3A_331] {strides = array<i32>} : memref<80x128xf32, #tpu.memory_space<vmem>>, vector<16xf32>,
      tpu.vector_store %arg10[%swap3A_330, %swap3A_331], %broadcast_in_dim3A_8 {strides = array<i32>} : memref<80x128xf32, #tpu.memory_space<vmem>>, vector<16xf32>,
      %scan3A_333 = arith.constant 0 : i32
      %scan3A_334 = arith.constant 5 : i32
      %scan3A_335 = arith.addi %scan3A_104, %scan3A_334 : i32
      %jit3A_336 = arith.constant 8 : i32
      %div3A_337 = arith.divsi %scan3A_335, %jit3A_336 : i32
      %sign3A_338 = arith.constant 0 : i32
      %sign3A_339 = arith.cmpi sgt, %scan3A_335, %sign3A_338 : i32
      %sign3A_340 = arith.extui %sign3A_339 : i1 to i32
      %sign3A_341 = arith.constant 0 : i32
      %sign3A_342 = arith.cmpi slt, %scan3A_335, %sign3A_341 : i32
      %sign3A_343 = arith.extui %sign3A_342 : i1 to i32
      %sign3A_344 = arith.subi %sign3A_340, %sign3A_343 : i32
      %sign3A_345 = arith.constant 0 : i32
      %sign3A_346 = arith.cmpi sgt, %jit3A_336, %sign3A_345 : i32
      %sign3A_347 = arith.extui %sign3A_346 : i1 to i32
      %sign3A_348 = arith.constant 0 : i32
      %sign3A_349 = arith.cmpi slt, %jit3A_336, %sign3A_348 : i32
      %sign3A_350 = arith.extui %sign3A_349 : i1 to i32
      %sign3A_351 = arith.subi %sign3A_347, %sign3A_350 : i32
      %ne3A_352 = arith.cmpi ne, %sign3A_344, %sign3A_351 : i32
      %rem3A_353 = arith.remsi %scan3A_335, %jit3A_336 : i32
      %ne3A_354 = arith.constant 0 : i32
      %ne3A_355 = arith.cmpi ne, %rem3A_353, %ne3A_354 : i32
      %and3A_356 = arith.andi %ne3A_352, %ne3A_355 : i1
      %sub3A_357 = arith.constant 1 : i32
      %sub3A_358 = arith.subi %div3A_337, %sub3A_357 : i32
      %select_n3A_359 = arith.select %and3A_356, %sub3A_358, %div3A_337 : i32
      %jit3A_360 = arith.constant 8 : i32
      %eq3A_361 = arith.constant 0 : i32
      %eq3A_362 = arith.cmpi eq, %jit3A_360, %eq3A_361 : i32
      %jit3A_363 = arith.constant 1 : i32
      %select_n3A_364 = arith.select %eq3A_362, %jit3A_363, %jit3A_360 : i32
      %rem3A_365 = arith.remsi %scan3A_335, %select_n3A_364 : i32
      %ne3A_366 = arith.constant 0 : i32
      %ne3A_367 = arith.cmpi ne, %rem3A_365, %ne3A_366 : i32
      %lt3A_368 = arith.constant 0 : i32
      %lt3A_369 = arith.cmpi slt, %rem3A_365, %lt3A_368 : i32
      %lt3A_370 = arith.constant 0 : i32
      %lt3A_371 = arith.cmpi slt, %select_n3A_364, %lt3A_370 : i32
      %ne3A_372 = arith.xori %lt3A_369, %lt3A_371 : i1
      %and3A_373 = arith.andi %ne3A_372, %ne3A_367 : i1
      %add3A_374 = arith.addi %rem3A_365, %select_n3A_364 : i32
      %select_n3A_375 = arith.select %and3A_373, %add3A_374, %rem3A_365 : i32
      %mul3A_376 = arith.constant 16 : i32
      %mul3A_377 = arith.muli %select_n3A_375, %mul3A_376 : i32
      %swap3A_378 = arith.index_cast %select_n3A_359 : i32 to index
      %swap3A_379 = arith.index_cast %mul3A_377 : i32 to index
      %swap3A_380 = tpu.vector_load %arg10[%swap3A_378, %swap3A_379] {strides = array<i32>} : memref<80x128xf32, #tpu.memory_space<vmem>>, vector<16xf32>,
      tpu.vector_store %arg10[%swap3A_378, %swap3A_379], %broadcast_in_dim3A_8 {strides = array<i32>} : memref<80x128xf32, #tpu.memory_space<vmem>>, vector<16xf32>,
      %scan3A_381 = arith.constant 0 : i32
      %scan3A_382 = arith.constant 6 : i32
      %scan3A_383 = arith.addi %scan3A_104, %scan3A_382 : i32
      %jit3A_384 = arith.constant 8 : i32
      %div3A_385 = arith.divsi %scan3A_383, %jit3A_384 : i32
      %sign3A_386 = arith.constant 0 : i32
      %sign3A_387 = arith.cmpi sgt, %scan3A_383, %sign3A_386 : i32
      %sign3A_388 = arith.extui %sign3A_387 : i1 to i32
      %sign3A_389 = arith.constant 0 : i32
      %sign3A_390 = arith.cmpi slt, %scan3A_383, %sign3A_389 : i32
      %sign3A_391 = arith.extui %sign3A_390 : i1 to i32
      %sign3A_392 = arith.subi %sign3A_388, %sign3A_391 : i32
      %sign3A_393 = arith.constant 0 : i32
      %sign3A_394 = arith.cmpi sgt, %jit3A_384, %sign3A_393 : i32
      %sign3A_395 = arith.extui %sign3A_394 : i1 to i32
      %sign3A_396 = arith.constant 0 : i32
      %sign3A_397 = arith.cmpi slt, %jit3A_384, %sign3A_396 : i32
      %sign3A_398 = arith.extui %sign3A_397 : i1 to i32
      %sign3A_399 = arith.subi %sign3A_395, %sign3A_398 : i32
      %ne3A_400 = arith.cmpi ne, %sign3A_392, %sign3A_399 : i32
      %rem3A_401 = arith.remsi %scan3A_383, %jit3A_384 : i32
      %ne3A_402 = arith.constant 0 : i32
      %ne3A_403 = arith.cmpi ne, %rem3A_401, %ne3A_402 : i32
      %and3A_404 = arith.andi %ne3A_400, %ne3A_403 : i1
      %sub3A_405 = arith.constant 1 : i32
      %sub3A_406 = arith.subi %div3A_385, %sub3A_405 : i32
      %select_n3A_407 = arith.select %and3A_404, %sub3A_406, %div3A_385 : i32
      %jit3A_408 = arith.constant 8 : i32
      %eq3A_409 = arith.constant 0 : i32
      %eq3A_410 = arith.cmpi eq, %jit3A_408, %eq3A_409 : i32
      %jit3A_411 = arith.constant 1 : i32
      %select_n3A_412 = arith.select %eq3A_410, %jit3A_411, %jit3A_408 : i32
      %rem3A_413 = arith.remsi %scan3A_383, %select_n3A_412 : i32
      %ne3A_414 = arith.constant 0 : i32
      %ne3A_415 = arith.cmpi ne, %rem3A_413, %ne3A_414 : i32
      %lt3A_416 = arith.constant 0 : i32
      %lt3A_417 = arith.cmpi slt, %rem3A_413, %lt3A_416 : i32
      %lt3A_418 = arith.constant 0 : i32
      %lt3A_419 = arith.cmpi slt, %select_n3A_412, %lt3A_418 : i32
      %ne3A_420 = arith.xori %lt3A_417, %lt3A_419 : i1
      %and3A_421 = arith.andi %ne3A_420, %ne3A_415 : i1
      %add3A_422 = arith.addi %rem3A_413, %select_n3A_412 : i32
      %select_n3A_423 = arith.select %and3A_421, %add3A_422, %rem3A_413 : i32
      %mul3A_424 = arith.constant 16 : i32
      %mul3A_425 = arith.muli %select_n3A_423, %mul3A_424 : i32
      %swap3A_426 = arith.index_cast %select_n3A_407 : i32 to index
      %swap3A_427 = arith.index_cast %mul3A_425 : i32 to index
      %swap3A_428 = tpu.vector_load %arg10[%swap3A_426, %swap3A_427] {strides = array<i32>} : memref<80x128xf32, #tpu.memory_space<vmem>>, vector<16xf32>,
      tpu.vector_store %arg10[%swap3A_426, %swap3A_427], %broadcast_in_dim3A_8 {strides = array<i32>} : memref<80x128xf32, #tpu.memory_space<vmem>>, vector<16xf32>,
      %scan3A_429 = arith.constant 0 : i32
      %scan3A_430 = arith.constant 7 : i32
      %scan3A_431 = arith.addi %scan3A_104, %scan3A_430 : i32
      %jit3A_432 = arith.constant 8 : i32
      %div3A_433 = arith.divsi %scan3A_431, %jit3A_432 : i32
      %sign3A_434 = arith.constant 0 : i32
      %sign3A_435 = arith.cmpi sgt, %scan3A_431, %sign3A_434 : i32
      %sign3A_436 = arith.extui %sign3A_435 : i1 to i32
      %sign3A_437 = arith.constant 0 : i32
      %sign3A_438 = arith.cmpi slt, %scan3A_431, %sign3A_437 : i32
      %sign3A_439 = arith.extui %sign3A_438 : i1 to i32
      %sign3A_440 = arith.subi %sign3A_436, %sign3A_439 : i32
      %sign3A_441 = arith.constant 0 : i32
      %sign3A_442 = arith.cmpi sgt, %jit3A_432, %sign3A_441 : i32
      %sign3A_443 = arith.extui %sign3A_442 : i1 to i32
      %sign3A_444 = arith.constant 0 : i32
      %sign3A_445 = arith.cmpi slt, %jit3A_432, %sign3A_444 : i32
      %sign3A_446 = arith.extui %sign3A_445 : i1 to i32
      %sign3A_447 = arith.subi %sign3A_443, %sign3A_446 : i32
      %ne3A_448 = arith.cmpi ne, %sign3A_440, %sign3A_447 : i32
      %rem3A_449 = arith.remsi %scan3A_431, %jit3A_432 : i32
      %ne3A_450 = arith.constant 0 : i32
      %ne3A_451 = arith.cmpi ne, %rem3A_449, %ne3A_450 : i32
      %and3A_452 = arith.andi %ne3A_448, %ne3A_451 : i1
      %sub3A_453 = arith.constant 1 : i32
      %sub3A_454 = arith.subi %div3A_433, %sub3A_453 : i32
      %select_n3A_455 = arith.select %and3A_452, %sub3A_454, %div3A_433 : i32
      %jit3A_456 = arith.constant 8 : i32
      %eq3A_457 = arith.constant 0 : i32
      %eq3A_458 = arith.cmpi eq, %jit3A_456, %eq3A_457 : i32
      %jit3A_459 = arith.constant 1 : i32
      %select_n3A_460 = arith.select %eq3A_458, %jit3A_459, %jit3A_456 : i32
      %rem3A_461 = arith.remsi %scan3A_431, %select_n3A_460 : i32
      %ne3A_462 = arith.constant 0 : i32
      %ne3A_463 = arith.cmpi ne, %rem3A_461, %ne3A_462 : i32
      %lt3A_464 = arith.constant 0 : i32
      %lt3A_465 = arith.cmpi slt, %rem3A_461, %lt3A_464 : i32
      %lt3A_466 = arith.constant 0 : i32
      %lt3A_467 = arith.cmpi slt, %select_n3A_460, %lt3A_466 : i32
      %ne3A_468 = arith.xori %lt3A_465, %lt3A_467 : i1
      %and3A_469 = arith.andi %ne3A_468, %ne3A_463 : i1
      %add3A_470 = arith.addi %rem3A_461, %select_n3A_460 : i32
      %select_n3A_471 = arith.select %and3A_469, %add3A_470, %rem3A_461 : i32
      %mul3A_472 = arith.constant 16 : i32
      %mul3A_473 = arith.muli %select_n3A_471, %mul3A_472 : i32
      %swap3A_474 = arith.index_cast %select_n3A_455 : i32 to index
      %swap3A_475 = arith.index_cast %mul3A_473 : i32 to index
      %swap3A_476 = tpu.vector_load %arg10[%swap3A_474, %swap3A_475] {strides = array<i32>} : memref<80x128xf32, #tpu.memory_space<vmem>>, vector<16xf32>,
      tpu.vector_store %arg10[%swap3A_474, %swap3A_475], %broadcast_in_dim3A_8 {strides = array<i32>} : memref<80x128xf32, #tpu.memory_space<vmem>>, vector<16xf32>,
      %scan3A_477 = arith.constant 0 : i32
      scf.yield %scan3A_477 : i32
    }
    %scan3A_14 = arith.constant 640 : i32
    %scan3A_15 = arith.constant 0 : i32
    %scan3A_16 = arith.constant 0 : i32
    %scan3A_17 = arith.constant 624 : i32
    %scan3A_18 = arith.addi %scan3A_16, %scan3A_17 : i32
    %scan3A_19 = arith.constant 8 : i32
    %scan3A_20 = scf.for %scan3A_104 = %scan3A_16 to %scan3A_18 step %scan3A_19 iter_args(%scan3A_105 = %scan3A_15) -> (i32)  : i32 {
      %mul3A_106 = arith.constant 16 : i32
      %mul3A_107 = arith.muli %scan3A_104, %mul3A_106 : i32
      %swap3A_108 = arith.index_cast %mul3A_107 : i32 to index
      %swap3A_109 = tpu.vector_load %arg12[%swap3A_108] {strides = array<i32>} : memref<10000xf32, #tpu.memory_space<vmem>>, vector<16xf32>,
      tpu.vector_store %arg12[%swap3A_108], %broadcast_in_dim3A_8 {strides = array<i32>} : memref<10000xf32, #tpu.memory_space<vmem>>, vector<16xf32>,
      %scan3A_110 = arith.constant 0 : i32
      %scan3A_111 = arith.constant 1 : i32
      %scan3A_112 = arith.addi %scan3A_104, %scan3A_111 : i32
      %mul3A_113 = arith.constant 16 : i32
      %mul3A_114 = arith.muli %scan3A_112, %mul3A_113 : i32
      %swap3A_115 = arith.index_cast %mul3A_114 : i32 to index
      %swap3A_116 = tpu.vector_load %arg12[%swap3A_115] {strides = array<i32>} : memref<10000xf32, #tpu.memory_space<vmem>>, vector<16xf32>,
      tpu.vector_store %arg12[%swap3A_115], %broadcast_in_dim3A_8 {strides = array<i32>} : memref<10000xf32, #tpu.memory_space<vmem>>, vector<16xf32>,
      %scan3A_117 = arith.constant 0 : i32
      %scan3A_118 = arith.constant 2 : i32
      %scan3A_119 = arith.addi %scan3A_104, %scan3A_118 : i32
      %mul3A_120 = arith.constant 16 : i32
      %mul3A_121 = arith.muli %scan3A_119, %mul3A_120 : i32
      %swap3A_122 = arith.index_cast %mul3A_121 : i32 to index
      %swap3A_123 = tpu.vector_load %arg12[%swap3A_122] {strides = array<i32>} : memref<10000xf32, #tpu.memory_space<vmem>>, vector<16xf32>,
      tpu.vector_store %arg12[%swap3A_122], %broadcast_in_dim3A_8 {strides = array<i32>} : memref<10000xf32, #tpu.memory_space<vmem>>, vector<16xf32>,
      %scan3A_124 = arith.constant 0 : i32
      %scan3A_125 = arith.constant 3 : i32
      %scan3A_126 = arith.addi %scan3A_104, %scan3A_125 : i32
      %mul3A_127 = arith.constant 16 : i32
      %mul3A_128 = arith.muli %scan3A_126, %mul3A_127 : i32
      %swap3A_129 = arith.index_cast %mul3A_128 : i32 to index
      %swap3A_130 = tpu.vector_load %arg12[%swap3A_129] {strides = array<i32>} : memref<10000xf32, #tpu.memory_space<vmem>>, vector<16xf32>,
      tpu.vector_store %arg12[%swap3A_129], %broadcast_in_dim3A_8 {strides = array<i32>} : memref<10000xf32, #tpu.memory_space<vmem>>, vector<16xf32>,
      %scan3A_131 = arith.constant 0 : i32
      %scan3A_132 = arith.constant 4 : i32
      %scan3A_133 = arith.addi %scan3A_104, %scan3A_132 : i32
      %mul3A_134 = arith.constant 16 : i32
      %mul3A_135 = arith.muli %scan3A_133, %mul3A_134 : i32
      %swap3A_136 = arith.index_cast %mul3A_135 : i32 to index
      %swap3A_137 = tpu.vector_load %arg12[%swap3A_136] {strides = array<i32>} : memref<10000xf32, #tpu.memory_space<vmem>>, vector<16xf32>,
      tpu.vector_store %arg12[%swap3A_136], %broadcast_in_dim3A_8 {strides = array<i32>} : memref<10000xf32, #tpu.memory_space<vmem>>, vector<16xf32>,
      %scan3A_138 = arith.constant 0 : i32
      %scan3A_139 = arith.constant 5 : i32
      %scan3A_140 = arith.addi %scan3A_104, %scan3A_139 : i32
      %mul3A_141 = arith.constant 16 : i32
      %mul3A_142 = arith.muli %scan3A_140, %mul3A_141 : i32
      %swap3A_143 = arith.index_cast %mul3A_142 : i32 to index
      %swap3A_144 = tpu.vector_load %arg12[%swap3A_143] {strides = array<i32>} : memref<10000xf32, #tpu.memory_space<vmem>>, vector<16xf32>,
      tpu.vector_store %arg12[%swap3A_143], %broadcast_in_dim3A_8 {strides = array<i32>} : memref<10000xf32, #tpu.memory_space<vmem>>, vector<16xf32>,
      %scan3A_145 = arith.constant 0 : i32
      %scan3A_146 = arith.constant 6 : i32
      %scan3A_147 = arith.addi %scan3A_104, %scan3A_146 : i32
      %mul3A_148 = arith.constant 16 : i32
      %mul3A_149 = arith.muli %scan3A_147, %mul3A_148 : i32
      %swap3A_150 = arith.index_cast %mul3A_149 : i32 to index
      %swap3A_151 = tpu.vector_load %arg12[%swap3A_150] {strides = array<i32>} : memref<10000xf32, #tpu.memory_space<vmem>>, vector<16xf32>,
      tpu.vector_store %arg12[%swap3A_150], %broadcast_in_dim3A_8 {strides = array<i32>} : memref<10000xf32, #tpu.memory_space<vmem>>, vector<16xf32>,
      %scan3A_152 = arith.constant 0 : i32
      %scan3A_153 = arith.constant 7 : i32
      %scan3A_154 = arith.addi %scan3A_104, %scan3A_153 : i32
      %mul3A_155 = arith.constant 16 : i32
      %mul3A_156 = arith.muli %scan3A_154, %mul3A_155 : i32
      %swap3A_157 = arith.index_cast %mul3A_156 : i32 to index
      %swap3A_158 = tpu.vector_load %arg12[%swap3A_157] {strides = array<i32>} : memref<10000xf32, #tpu.memory_space<vmem>>, vector<16xf32>,
      tpu.vector_store %arg12[%swap3A_157], %broadcast_in_dim3A_8 {strides = array<i32>} : memref<10000xf32, #tpu.memory_space<vmem>>, vector<16xf32>,
      %scan3A_159 = arith.constant 0 : i32
      scf.yield %scan3A_159 : i32
    }
    %scan3A_21 = arith.constant 624 : i32
    %scan3A_22 = arith.addi %scan3A_16, %scan3A_21 : i32
    %mul3A_23 = arith.constant 16 : i32
    %mul3A_24 = arith.muli %scan3A_22, %mul3A_23 : i32
    %swap3A = arith.index_cast %mul3A_24 : i32 to index
    %swap3A_25 = tpu.vector_load %arg12[%swap3A] {strides = array<i32>} : memref<10000xf32, #tpu.memory_space<vmem>>, vector<16xf32>,
    tpu.vector_store %arg12[%swap3A], %broadcast_in_dim3A_8 {strides = array<i32>} : memref<10000xf32, #tpu.memory_space<vmem>>, vector<16xf32>,
    %scan3A_26 = arith.constant 0 : i32
    %scan3A_27 = arith.constant 625 : i32
    %scan3A_28 = arith.constant 0 : i32
    %scan3A_29 = arith.constant 0 : i32
    %scan3A_30 = arith.constant 8 : i32
    %scan3A_31 = arith.addi %scan3A_29, %scan3A_30 : i32
    %scan3A_32 = arith.constant 1 : i32
    %scan3A_33 = scf.for %scan3A_104 = %scan3A_29 to %scan3A_31 step %scan3A_32 iter_args(%scan3A_105 = %scan3A_28) -> (i32)  : i32 {
      %mul3A_106 = arith.constant 16 : i32
      %mul3A_107 = arith.muli %scan3A_104, %mul3A_106 : i32
      %add3A_108 = arith.addi %mul3A_107, %arg1 : i32
      %lt3A = arith.constant 125 : i32
      %lt3A_109 = arith.cmpi slt, %add3A_108, %lt3A : i32
      %convert_element_type3A = arith.extui %lt3A_109 : i1 to i32
      %cond3A = arith.constant 0 : i32
      %cond3A_110 = arith.cmpi ne, %convert_element_type3A, %cond3A : i32
      scf.if %cond3A_110 {
        %mul3A_112 = arith.constant 16 : i32
        %mul3A_113 = arith.muli %scan3A_104, %mul3A_112 : i32
        %add3A_114 = arith.addi %mul3A_113, %arg1 : i32
        %mul3A_115 = arith.constant 80 : i32
        %mul3A_116 = arith.muli %add3A_114, %mul3A_115 : i32
        "tpu.region"() ({
          %run_scoped3A = tpu.sem_alloc : memref<!tpu.dma_semaphore, #tpu.memory_space<semaphore_mem>>
          %dma_start3A_117 = arith.constant 0 : i32
          %dma_start3A_118 = tpu.memref_slice %arg13[%mul3A_116, %dma_start3A_117] : memref<10000x128xf32, #tpu.memory_space<vmem_shared>> -> memref<80x128xf32, #tpu.memory_space<vmem_shared>>
          %dma_start3A_119 = arith.constant 0 : i32
          %dma_start3A_120 = tpu.memref_slice %arg13[%mul3A_116, %dma_start3A_119] : memref<10000x128xf32, #tpu.memory_space<vmem_shared>> -> memref<80x128xf32, #tpu.memory_space<vmem_shared>>
          tpu.enqueue_dma source(%arg10 : memref<80x128xf32, #tpu.memory_space<vmem>>) target(%dma_start3A_120 : memref<80x128xf32, #tpu.memory_space<vmem_shared>>) target_semaphore(%run_scoped3A : memref<!tpu.dma_semaphore, #tpu.memory_space<semaphore_mem>>)
          %dma_wait3A_121 = arith.constant 0 : i32
          %dma_wait3A_122 = tpu.memref_slice %arg13[%mul3A_116, %dma_wait3A_121] : memref<10000x128xf32, #tpu.memory_space<vmem_shared>> -> memref<80x128xf32, #tpu.memory_space<vmem_shared>>
          %dma_wait3A_123 = arith.constant 0 : i32
          %dma_wait3A_124 = tpu.memref_slice %arg13[%mul3A_116, %dma_wait3A_123] : memref<10000x128xf32, #tpu.memory_space<vmem_shared>> -> memref<80x128xf32, #tpu.memory_space<vmem_shared>>
          tpu.wait_dma2 semaphore(%run_scoped3A : memref<!tpu.dma_semaphore, #tpu.memory_space<semaphore_mem>>) src(%arg10 : memref<80x128xf32, #tpu.memory_space<vmem>>) dst(%dma_wait3A_124 : memref<80x128xf32, #tpu.memory_space<vmem_shared>>)
          tpu.yield
        }) : () -> ()
      } else {
      }
      %scan3A_111 = arith.constant 0 : i32
      scf.yield %scan3A_111 : i32
    }
    %scan3A_34 = arith.constant 8 : i32
    %dma_wait3A = tpu.memref_slice %arg2[%mul3A_2] : memref<640000xi32, #tpu.memory_space<hbm>> -> memref<10000xi32, #tpu.memory_space<hbm>>
    %dma_wait3A_35 = tpu.memref_slice %arg2[%mul3A_2] : memref<640000xi32, #tpu.memory_space<hbm>> -> memref<10000xi32, #tpu.memory_space<hbm>>
    tpu.wait_dma2 semaphore(%arg14 : memref<!tpu.dma_semaphore, #tpu.memory_space<semaphore_mem>>) src(%dma_wait3A_35 : memref<10000xi32, #tpu.memory_space<hbm>>) dst(%arg6 : memref<10000xi32, #tpu.memory_space<vmem>>)
    %add3A_36 = arith.constant 320000 : i32
    %add3A_37 = arith.addi %add3A_36, %mul3A_2 : i32
    %dma_wait3A_38 = tpu.memref_slice %arg2[%add3A_37] : memref<640000xi32, #tpu.memory_space<hbm>> -> memref<10000xi32, #tpu.memory_space<hbm>>
    %dma_wait3A_39 = tpu.memref_slice %arg2[%add3A_37] : memref<640000xi32, #tpu.memory_space<hbm>> -> memref<10000xi32, #tpu.memory_space<hbm>>
    tpu.wait_dma2 semaphore(%arg15 : memref<!tpu.dma_semaphore, #tpu.memory_space<semaphore_mem>>) src(%dma_wait3A_39 : memref<10000xi32, #tpu.memory_space<hbm>>) dst(%arg7 : memref<10000xi32, #tpu.memory_space<vmem>>)
    %barrier3A = arith.constant 0 : index
    tpu.barrier barrier_id(%barrier3A)
    %broadcast_in_dim3A_40 = arith.constant 1.000000e+00 : f32
    %broadcast_in_dim3A_41 = vector.broadcast %broadcast_in_dim3A_40 : f32 to vector<16xf32>
    %get3A = arith.constant 0 : index
    %get3A_42 = tpu.vector_load %arg7[%get3A] {strides = array<i32>} : memref<10000xi32, #tpu.memory_space<vmem>>, vector<16xi32>,
    %swap3A_43 = arith.constant 0 : index
    %swap3A_44 = tpu.vector_load %arg8[%swap3A_43] {strides = array<i32>} : memref<80xi32, #tpu.memory_space<vmem>>, vector<16xi32>,
    tpu.vector_store %arg8[%swap3A_43], %get3A_42 {strides = array<i32>} : memref<80xi32, #tpu.memory_space<vmem>>, vector<16xi32>,
    %get3A_45 = arith.constant 16 : index
    %get3A_46 = tpu.vector_load %arg7[%get3A_45] {strides = array<i32>} : memref<10000xi32, #tpu.memory_space<vmem>>, vector<16xi32>,
    %swap3A_47 = arith.constant 16 : index
    %swap3A_48 = tpu.vector_load %arg8[%swap3A_47] {strides = array<i32>} : memref<80xi32, #tpu.memory_space<vmem>>, vector<16xi32>,
    tpu.vector_store %arg8[%swap3A_47], %get3A_46 {strides = array<i32>} : memref<80xi32, #tpu.memory_space<vmem>>, vector<16xi32>,
    %get3A_49 = arith.constant 32 : index
    %get3A_50 = tpu.vector_load %arg7[%get3A_49] {strides = array<i32>} : memref<10000xi32, #tpu.memory_space<vmem>>, vector<16xi32>,
    %swap3A_51 = arith.constant 32 : index
    %swap3A_52 = tpu.vector_load %arg8[%swap3A_51] {strides = array<i32>} : memref<80xi32, #tpu.memory_space<vmem>>, vector<16xi32>,
    tpu.vector_store %arg8[%swap3A_51], %get3A_50 {strides = array<i32>} : memref<80xi32, #tpu.memory_space<vmem>>, vector<16xi32>,
    %get3A_53 = arith.constant 48 : index
    %get3A_54 = tpu.vector_load %arg7[%get3A_53] {strides = array<i32>} : memref<10000xi32, #tpu.memory_space<vmem>>, vector<16xi32>,
    %swap3A_55 = arith.constant 48 : index
    %swap3A_56 = tpu.vector_load %arg8[%swap3A_55] {strides = array<i32>} : memref<80xi32, #tpu.memory_space<vmem>>, vector<16xi32>,
    tpu.vector_store %arg8[%swap3A_55], %get3A_54 {strides = array<i32>} : memref<80xi32, #tpu.memory_space<vmem>>, vector<16xi32>,
    %get3A_57 = arith.constant 64 : index
    %get3A_58 = tpu.vector_load %arg7[%get3A_57] {strides = array<i32>} : memref<10000xi32, #tpu.memory_space<vmem>>, vector<16xi32>,
    %swap3A_59 = arith.constant 64 : index
    %swap3A_60 = tpu.vector_load %arg8[%swap3A_59] {strides = array<i32>} : memref<80xi32, #tpu.memory_space<vmem>>, vector<16xi32>,
    tpu.vector_store %arg8[%swap3A_59], %get3A_58 {strides = array<i32>} : memref<80xi32, #tpu.memory_space<vmem>>, vector<16xi32>,
    %dma_start3A_61 = arith.constant 0 : i32
    %dma_start3A_62 = tpu.memref_slice %arg6[%dma_start3A_61] : memref<10000xi32, #tpu.memory_space<vmem>> -> memref<80xi32, #tpu.memory_space<vmem>>
    %dma_start3A_63 = arith.constant 0 : i32
    %dma_start3A_64 = arith.constant 0 : i32
    %dma_start3A_65 = tpu.memref_slice %arg3[%dma_start3A_63, %dma_start3A_64] : memref<10000x128xf32, #tpu.memory_space<hbm>> -> memref<10000x128xf32, #tpu.memory_space<hbm>>
    tpu.enqueue_indirect_dma source(%dma_start3A_65 : memref<10000x128xf32, #tpu.memory_space<hbm>>) target(%arg10 : memref<80x128xf32, #tpu.memory_space<vmem>>) offsets(%dma_start3A_62 : memref<80xi32, #tpu.memory_space<vmem>>) semaphore(%arg14 : memref<!tpu.dma_semaphore, #tpu.memory_space<semaphore_mem>>)
    %scan3A_66 = arith.constant 0 : i32
    %scan3A_67 = arith.constant 0 : i32
    %scan3A_68 = arith.constant 62 : i32
    %scan3A_69 = arith.addi %scan3A_67, %scan3A_68 : i32
    %scan3A_70 = arith.constant 1 : i32
    %scan3A_71 = scf.for %scan3A_104 = %scan3A_67 to %scan3A_69 step %scan3A_70 iter_args(%scan3A_105 = %scan3A_66) -> (i32)  : i32 {
      %mul3A_106 = arith.constant 2 : i32
      %mul3A_107 = arith.muli %scan3A_104, %mul3A_106 : i32
      %add3A_108 = arith.constant 1 : i32
      %add3A_109 = arith.addi %mul3A_107, %add3A_108 : i32
      %mul3A_110 = arith.constant 80 : i32
      %mul3A_111 = arith.muli %add3A_109, %mul3A_110 : i32
      %add3A_112 = arith.constant 0 : i32
      %add3A_113 = arith.addi %mul3A_111, %add3A_112 : i32
      %get3A_114 = arith.index_cast %add3A_113 : i32 to index
      %get3A_115 = tpu.vector_load %arg7[%get3A_114] {strides = array<i32>} : memref<10000xi32, #tpu.memory_space<vmem>>, vector<16xi32>,
      %swap3A_116 = arith.constant 0 : index
      %swap3A_117 = tpu.vector_load %arg9[%swap3A_116] {strides = array<i32>} : memref<80xi32, #tpu.memory_space<vmem>>, vector<16xi32>,
      tpu.vector_store %arg9[%swap3A_116], %get3A_115 {strides = array<i32>} : memref<80xi32, #tpu.memory_space<vmem>>, vector<16xi32>,
      %mul3A_118 = arith.constant 80 : i32
      %mul3A_119 = arith.muli %add3A_109, %mul3A_118 : i32
      %add3A_120 = arith.constant 16 : i32
      %add3A_121 = arith.addi %mul3A_119, %add3A_120 : i32
      %get3A_122 = arith.index_cast %add3A_121 : i32 to index
      %get3A_123 = tpu.vector_load %arg7[%get3A_122] {strides = array<i32>} : memref<10000xi32, #tpu.memory_space<vmem>>, vector<16xi32>,
      %swap3A_124 = arith.constant 16 : index
      %swap3A_125 = tpu.vector_load %arg9[%swap3A_124] {strides = array<i32>} : memref<80xi32, #tpu.memory_space<vmem>>, vector<16xi32>,
      tpu.vector_store %arg9[%swap3A_124], %get3A_123 {strides = array<i32>} : memref<80xi32, #tpu.memory_space<vmem>>, vector<16xi32>,
      %mul3A_126 = arith.constant 80 : i32
      %mul3A_127 = arith.muli %add3A_109, %mul3A_126 : i32
      %add3A_128 = arith.constant 32 : i32
      %add3A_129 = arith.addi %mul3A_127, %add3A_128 : i32
      %get3A_130 = arith.index_cast %add3A_129 : i32 to index
      %get3A_131 = tpu.vector_load %arg7[%get3A_130] {strides = array<i32>} : memref<10000xi32, #tpu.memory_space<vmem>>, vector<16xi32>,
      %swap3A_132 = arith.constant 32 : index
      %swap3A_133 = tpu.vector_load %arg9[%swap3A_132] {strides = array<i32>} : memref<80xi32, #tpu.memory_space<vmem>>, vector<16xi32>,
      tpu.vector_store %arg9[%swap3A_132], %get3A_131 {strides = array<i32>} : memref<80xi32, #tpu.memory_space<vmem>>, vector<16xi32>,
      %mul3A_134 = arith.constant 80 : i32
      %mul3A_135 = arith.muli %add3A_109, %mul3A_134 : i32
      %add3A_136 = arith.constant 48 : i32
      %add3A_137 = arith.addi %mul3A_135, %add3A_136 : i32
      %get3A_138 = arith.index_cast %add3A_137 : i32 to index
      %get3A_139 = tpu.vector_load %arg7[%get3A_138] {strides = array<i32>} : memref<10000xi32, #tpu.memory_space<vmem>>, vector<16xi32>,
      %swap3A_140 = arith.constant 48 : index
      %swap3A_141 = tpu.vector_load %arg9[%swap3A_140] {strides = array<i32>} : memref<80xi32, #tpu.memory_space<vmem>>, vector<16xi32>,
      tpu.vector_store %arg9[%swap3A_140], %get3A_139 {strides = array<i32>} : memref<80xi32, #tpu.memory_space<vmem>>, vector<16xi32>,
      %mul3A_142 = arith.constant 80 : i32
      %mul3A_143 = arith.muli %add3A_109, %mul3A_142 : i32
      %add3A_144 = arith.constant 64 : i32
      %add3A_145 = arith.addi %mul3A_143, %add3A_144 : i32
      %get3A_146 = arith.index_cast %add3A_145 : i32 to index
      %get3A_147 = tpu.vector_load %arg7[%get3A_146] {strides = array<i32>} : memref<10000xi32, #tpu.memory_space<vmem>>, vector<16xi32>,
      %swap3A_148 = arith.constant 64 : index
      %swap3A_149 = tpu.vector_load %arg9[%swap3A_148] {strides = array<i32>} : memref<80xi32, #tpu.memory_space<vmem>>, vector<16xi32>,
      tpu.vector_store %arg9[%swap3A_148], %get3A_147 {strides = array<i32>} : memref<80xi32, #tpu.memory_space<vmem>>, vector<16xi32>,
      %add3A_150 = arith.constant 1 : i32
      %add3A_151 = arith.addi %mul3A_107, %add3A_150 : i32
      %mul3A_152 = arith.constant 80 : i32
      %mul3A_153 = arith.muli %add3A_151, %mul3A_152 : i32
      %dma_start3A_154 = tpu.memref_slice %arg6[%mul3A_153] : memref<10000xi32, #tpu.memory_space<vmem>> -> memref<80xi32, #tpu.memory_space<vmem>>
      %dma_start3A_155 = arith.constant 0 : i32
      %dma_start3A_156 = arith.constant 0 : i32
      %dma_start3A_157 = tpu.memref_slice %arg3[%dma_start3A_155, %dma_start3A_156] : memref<10000x128xf32, #tpu.memory_space<hbm>> -> memref<10000x128xf32, #tpu.memory_space<hbm>>
      tpu.enqueue_indirect_dma source(%dma_start3A_157 : memref<10000x128xf32, #tpu.memory_space<hbm>>) target(%arg11 : memref<80x128xf32, #tpu.memory_space<vmem>>) offsets(%dma_start3A_154 : memref<80xi32, #tpu.memory_space<vmem>>) semaphore(%arg15 : memref<!tpu.dma_semaphore, #tpu.memory_space<semaphore_mem>>)
      %mul3A_158 = arith.constant 80 : i32
      %mul3A_159 = arith.muli %mul3A_107, %mul3A_158 : i32
      %dma_wait3A_160 = tpu.memref_slice %arg6[%mul3A_159] : memref<10000xi32, #tpu.memory_space<vmem>> -> memref<80xi32, #tpu.memory_space<vmem>>
      %dma_wait3A_161 = arith.constant 0 : i32
      %dma_wait3A_162 = arith.constant 0 : i32
      %dma_wait3A_163 = tpu.memref_slice %arg3[%dma_wait3A_161, %dma_wait3A_162] : memref<10000x128xf32, #tpu.memory_space<hbm>> -> memref<10000x128xf32, #tpu.memory_space<hbm>>
      tpu.wait_indirect_dma semaphore(%arg14 : memref<!tpu.dma_semaphore, #tpu.memory_space<semaphore_mem>>) src(%dma_wait3A_163 : memref<10000x128xf32, #tpu.memory_space<hbm>>) dst(%arg10 : memref<80x128xf32, #tpu.memory_space<vmem>>)
      "tpu.region"() ({
        %run_scoped3A = tpu.sem_alloc : memref<!tpu.dma_semaphore, #tpu.memory_space<semaphore_mem>>
        %dma_start3A_243 = arith.constant 0 : i32
        %dma_start3A_244 = arith.constant 0 : i32
        %dma_start3A_245 = tpu.memref_slice %arg13[%dma_start3A_243, %dma_start3A_244] : memref<10000x128xf32, #tpu.memory_space<vmem_shared>> -> memref<10000x128xf32, #tpu.memory_space<vmem_shared>>
        tpu.enqueue_indirect_dma source(%arg10 : memref<80x128xf32, #tpu.memory_space<vmem>>) target(%dma_start3A_245 : memref<10000x128xf32, #tpu.memory_space<vmem_shared>>) offsets(%arg8 : memref<80xi32, #tpu.memory_space<vmem>>) semaphore(%run_scoped3A : memref<!tpu.dma_semaphore, #tpu.memory_space<semaphore_mem>>) {add = true}
        %dma_wait3A_246 = arith.constant 0 : i32
        %dma_wait3A_247 = arith.constant 0 : i32
        %dma_wait3A_248 = tpu.memref_slice %arg13[%dma_wait3A_246, %dma_wait3A_247] : memref<10000x128xf32, #tpu.memory_space<vmem_shared>> -> memref<10000x128xf32, #tpu.memory_space<vmem_shared>>
        tpu.wait_indirect_dma semaphore(%run_scoped3A : memref<!tpu.dma_semaphore, #tpu.memory_space<semaphore_mem>>) src(%arg10 : memref<80x128xf32, #tpu.memory_space<vmem>>) dst(%dma_wait3A_248 : memref<10000x128xf32, #tpu.memory_space<vmem_shared>>)
        tpu.yield
      }) : () -> ()
      %get3A_164 = arith.constant 0 : index
      %get3A_165 = tpu.vector_load %arg8[%get3A_164] {strides = array<i32>} : memref<80xi32, #tpu.memory_space<vmem>>, vector<16xi32>,
      tpu.vector_store_idx %arg12[%get3A_165], %broadcast_in_dim3A_41 {add = true} : memref<10000xf32, #tpu.memory_space<vmem>>[vector<16xi32>], vector<16xf32>,
      %get3A_166 = arith.constant 16 : index
      %get3A_167 = tpu.vector_load %arg8[%get3A_166] {strides = array<i32>} : memref<80xi32, #tpu.memory_space<vmem>>, vector<16xi32>,
      tpu.vector_store_idx %arg12[%get3A_167], %broadcast_in_dim3A_41 {add = true} : memref<10000xf32, #tpu.memory_space<vmem>>[vector<16xi32>], vector<16xf32>,
      %get3A_168 = arith.constant 32 : index
      %get3A_169 = tpu.vector_load %arg8[%get3A_168] {strides = array<i32>} : memref<80xi32, #tpu.memory_space<vmem>>, vector<16xi32>,
      tpu.vector_store_idx %arg12[%get3A_169], %broadcast_in_dim3A_41 {add = true} : memref<10000xf32, #tpu.memory_space<vmem>>[vector<16xi32>], vector<16xf32>,
      %get3A_170 = arith.constant 48 : index
      %get3A_171 = tpu.vector_load %arg8[%get3A_170] {strides = array<i32>} : memref<80xi32, #tpu.memory_space<vmem>>, vector<16xi32>,
      tpu.vector_store_idx %arg12[%get3A_171], %broadcast_in_dim3A_41 {add = true} : memref<10000xf32, #tpu.memory_space<vmem>>[vector<16xi32>], vector<16xf32>,
      %get3A_172 = arith.constant 64 : index
      %get3A_173 = tpu.vector_load %arg8[%get3A_172] {strides = array<i32>} : memref<80xi32, #tpu.memory_space<vmem>>, vector<16xi32>,
      tpu.vector_store_idx %arg12[%get3A_173], %broadcast_in_dim3A_41 {add = true} : memref<10000xf32, #tpu.memory_space<vmem>>[vector<16xi32>], vector<16xf32>,
      %add3A_174 = arith.constant 2 : i32
      %add3A_175 = arith.addi %mul3A_107, %add3A_174 : i32
      %mul3A_176 = arith.constant 80 : i32
      %mul3A_177 = arith.muli %add3A_175, %mul3A_176 : i32
      %add3A_178 = arith.constant 0 : i32
      %add3A_179 = arith.addi %mul3A_177, %add3A_178 : i32
      %get3A_180 = arith.index_cast %add3A_179 : i32 to index
      %get3A_181 = tpu.vector_load %arg7[%get3A_180] {strides = array<i32>} : memref<10000xi32, #tpu.memory_space<vmem>>, vector<16xi32>,
      %swap3A_182 = arith.constant 0 : index
      %swap3A_183 = tpu.vector_load %arg8[%swap3A_182] {strides = array<i32>} : memref<80xi32, #tpu.memory_space<vmem>>, vector<16xi32>,
      tpu.vector_store %arg8[%swap3A_182], %get3A_181 {strides = array<i32>} : memref<80xi32, #tpu.memory_space<vmem>>, vector<16xi32>,
      %mul3A_184 = arith.constant 80 : i32
      %mul3A_185 = arith.muli %add3A_175, %mul3A_184 : i32
      %add3A_186 = arith.constant 16 : i32
      %add3A_187 = arith.addi %mul3A_185, %add3A_186 : i32
      %get3A_188 = arith.index_cast %add3A_187 : i32 to index
      %get3A_189 = tpu.vector_load %arg7[%get3A_188] {strides = array<i32>} : memref<10000xi32, #tpu.memory_space<vmem>>, vector<16xi32>,
      %swap3A_190 = arith.constant 16 : index
      %swap3A_191 = tpu.vector_load %arg8[%swap3A_190] {strides = array<i32>} : memref<80xi32, #tpu.memory_space<vmem>>, vector<16xi32>,
      tpu.vector_store %arg8[%swap3A_190], %get3A_189 {strides = array<i32>} : memref<80xi32, #tpu.memory_space<vmem>>, vector<16xi32>,
      %mul3A_192 = arith.constant 80 : i32
      %mul3A_193 = arith.muli %add3A_175, %mul3A_192 : i32
      %add3A_194 = arith.constant 32 : i32
      %add3A_195 = arith.addi %mul3A_193, %add3A_194 : i32
      %get3A_196 = arith.index_cast %add3A_195 : i32 to index
      %get3A_197 = tpu.vector_load %arg7[%get3A_196] {strides = array<i32>} : memref<10000xi32, #tpu.memory_space<vmem>>, vector<16xi32>,
      %swap3A_198 = arith.constant 32 : index
      %swap3A_199 = tpu.vector_load %arg8[%swap3A_198] {strides = array<i32>} : memref<80xi32, #tpu.memory_space<vmem>>, vector<16xi32>,
      tpu.vector_store %arg8[%swap3A_198], %get3A_197 {strides = array<i32>} : memref<80xi32, #tpu.memory_space<vmem>>, vector<16xi32>,
      %mul3A_200 = arith.constant 80 : i32
      %mul3A_201 = arith.muli %add3A_175, %mul3A_200 : i32
      %add3A_202 = arith.constant 48 : i32
      %add3A_203 = arith.addi %mul3A_201, %add3A_202 : i32
      %get3A_204 = arith.index_cast %add3A_203 : i32 to index
      %get3A_205 = tpu.vector_load %arg7[%get3A_204] {strides = array<i32>} : memref<10000xi32, #tpu.memory_space<vmem>>, vector<16xi32>,
      %swap3A_206 = arith.constant 48 : index
      %swap3A_207 = tpu.vector_load %arg8[%swap3A_206] {strides = array<i32>} : memref<80xi32, #tpu.memory_space<vmem>>, vector<16xi32>,
      tpu.vector_store %arg8[%swap3A_206], %get3A_205 {strides = array<i32>} : memref<80xi32, #tpu.memory_space<vmem>>, vector<16xi32>,
      %mul3A_208 = arith.constant 80 : i32
      %mul3A_209 = arith.muli %add3A_175, %mul3A_208 : i32
      %add3A_210 = arith.constant 64 : i32
      %add3A_211 = arith.addi %mul3A_209, %add3A_210 : i32
      %get3A_212 = arith.index_cast %add3A_211 : i32 to index
      %get3A_213 = tpu.vector_load %arg7[%get3A_212] {strides = array<i32>} : memref<10000xi32, #tpu.memory_space<vmem>>, vector<16xi32>,
      %swap3A_214 = arith.constant 64 : index
      %swap3A_215 = tpu.vector_load %arg8[%swap3A_214] {strides = array<i32>} : memref<80xi32, #tpu.memory_space<vmem>>, vector<16xi32>,
      tpu.vector_store %arg8[%swap3A_214], %get3A_213 {strides = array<i32>} : memref<80xi32, #tpu.memory_space<vmem>>, vector<16xi32>,
      %add3A_216 = arith.constant 2 : i32
      %add3A_217 = arith.addi %mul3A_107, %add3A_216 : i32
      %mul3A_218 = arith.constant 80 : i32
      %mul3A_219 = arith.muli %add3A_217, %mul3A_218 : i32
      %dma_start3A_220 = tpu.memref_slice %arg6[%mul3A_219] : memref<10000xi32, #tpu.memory_space<vmem>> -> memref<80xi32, #tpu.memory_space<vmem>>
      %dma_start3A_221 = arith.constant 0 : i32
      %dma_start3A_222 = arith.constant 0 : i32
      %dma_start3A_223 = tpu.memref_slice %arg3[%dma_start3A_221, %dma_start3A_222] : memref<10000x128xf32, #tpu.memory_space<hbm>> -> memref<10000x128xf32, #tpu.memory_space<hbm>>
      tpu.enqueue_indirect_dma source(%dma_start3A_223 : memref<10000x128xf32, #tpu.memory_space<hbm>>) target(%arg10 : memref<80x128xf32, #tpu.memory_space<vmem>>) offsets(%dma_start3A_220 : memref<80xi32, #tpu.memory_space<vmem>>) semaphore(%arg14 : memref<!tpu.dma_semaphore, #tpu.memory_space<semaphore_mem>>)
      %add3A_224 = arith.constant 1 : i32
      %add3A_225 = arith.addi %mul3A_107, %add3A_224 : i32
      %mul3A_226 = arith.constant 80 : i32
      %mul3A_227 = arith.muli %add3A_225, %mul3A_226 : i32
      %dma_wait3A_228 = tpu.memref_slice %arg6[%mul3A_227] : memref<10000xi32, #tpu.memory_space<vmem>> -> memref<80xi32, #tpu.memory_space<vmem>>
      %dma_wait3A_229 = arith.constant 0 : i32
      %dma_wait3A_230 = arith.constant 0 : i32
      %dma_wait3A_231 = tpu.memref_slice %arg3[%dma_wait3A_229, %dma_wait3A_230] : memref<10000x128xf32, #tpu.memory_space<hbm>> -> memref<10000x128xf32, #tpu.memory_space<hbm>>
      tpu.wait_indirect_dma semaphore(%arg15 : memref<!tpu.dma_semaphore, #tpu.memory_space<semaphore_mem>>) src(%dma_wait3A_231 : memref<10000x128xf32, #tpu.memory_space<hbm>>) dst(%arg11 : memref<80x128xf32, #tpu.memory_space<vmem>>)
      "tpu.region"() ({
        %run_scoped3A = tpu.sem_alloc : memref<!tpu.dma_semaphore, #tpu.memory_space<semaphore_mem>>
        %dma_start3A_243 = arith.constant 0 : i32
        %dma_start3A_244 = arith.constant 0 : i32
        %dma_start3A_245 = tpu.memref_slice %arg13[%dma_start3A_243, %dma_start3A_244] : memref<10000x128xf32, #tpu.memory_space<vmem_shared>> -> memref<10000x128xf32, #tpu.memory_space<vmem_shared>>
        tpu.enqueue_indirect_dma source(%arg11 : memref<80x128xf32, #tpu.memory_space<vmem>>) target(%dma_start3A_245 : memref<10000x128xf32, #tpu.memory_space<vmem_shared>>) offsets(%arg9 : memref<80xi32, #tpu.memory_space<vmem>>) semaphore(%run_scoped3A : memref<!tpu.dma_semaphore, #tpu.memory_space<semaphore_mem>>) {add = true}
        %dma_wait3A_246 = arith.constant 0 : i32
        %dma_wait3A_247 = arith.constant 0 : i32
        %dma_wait3A_248 = tpu.memref_slice %arg13[%dma_wait3A_246, %dma_wait3A_247] : memref<10000x128xf32, #tpu.memory_space<vmem_shared>> -> memref<10000x128xf32, #tpu.memory_space<vmem_shared>>
        tpu.wait_indirect_dma semaphore(%run_scoped3A : memref<!tpu.dma_semaphore, #tpu.memory_space<semaphore_mem>>) src(%arg11 : memref<80x128xf32, #tpu.memory_space<vmem>>) dst(%dma_wait3A_248 : memref<10000x128xf32, #tpu.memory_space<vmem_shared>>)
        tpu.yield
      }) : () -> ()
      %get3A_232 = arith.constant 0 : index
      %get3A_233 = tpu.vector_load %arg9[%get3A_232] {strides = array<i32>} : memref<80xi32, #tpu.memory_space<vmem>>, vector<16xi32>,
      tpu.vector_store_idx %arg12[%get3A_233], %broadcast_in_dim3A_41 {add = true} : memref<10000xf32, #tpu.memory_space<vmem>>[vector<16xi32>], vector<16xf32>,
      %get3A_234 = arith.constant 16 : index
      %get3A_235 = tpu.vector_load %arg9[%get3A_234] {strides = array<i32>} : memref<80xi32, #tpu.memory_space<vmem>>, vector<16xi32>,
      tpu.vector_store_idx %arg12[%get3A_235], %broadcast_in_dim3A_41 {add = true} : memref<10000xf32, #tpu.memory_space<vmem>>[vector<16xi32>], vector<16xf32>,
      %get3A_236 = arith.constant 32 : index
      %get3A_237 = tpu.vector_load %arg9[%get3A_236] {strides = array<i32>} : memref<80xi32, #tpu.memory_space<vmem>>, vector<16xi32>,
      tpu.vector_store_idx %arg12[%get3A_237], %broadcast_in_dim3A_41 {add = true} : memref<10000xf32, #tpu.memory_space<vmem>>[vector<16xi32>], vector<16xf32>,
      %get3A_238 = arith.constant 48 : index
      %get3A_239 = tpu.vector_load %arg9[%get3A_238] {strides = array<i32>} : memref<80xi32, #tpu.memory_space<vmem>>, vector<16xi32>,
      tpu.vector_store_idx %arg12[%get3A_239], %broadcast_in_dim3A_41 {add = true} : memref<10000xf32, #tpu.memory_space<vmem>>[vector<16xi32>], vector<16xf32>,
      %get3A_240 = arith.constant 64 : index
      %get3A_241 = tpu.vector_load %arg9[%get3A_240] {strides = array<i32>} : memref<80xi32, #tpu.memory_space<vmem>>, vector<16xi32>,
      tpu.vector_store_idx %arg12[%get3A_241], %broadcast_in_dim3A_41 {add = true} : memref<10000xf32, #tpu.memory_space<vmem>>[vector<16xi32>], vector<16xf32>,
      %scan3A_242 = arith.constant 0 : i32
      scf.yield %scan3A_242 : i32
    }
    %scan3A_72 = arith.constant 62 : i32
    %dma_wait3A_73 = arith.constant 9920 : i32
    %dma_wait3A_74 = tpu.memref_slice %arg6[%dma_wait3A_73] : memref<10000xi32, #tpu.memory_space<vmem>> -> memref<80xi32, #tpu.memory_space<vmem>>
    %dma_wait3A_75 = arith.constant 0 : i32
    %dma_wait3A_76 = arith.constant 0 : i32
    %dma_wait3A_77 = tpu.memref_slice %arg3[%dma_wait3A_75, %dma_wait3A_76] : memref<10000x128xf32, #tpu.memory_space<hbm>> -> memref<10000x128xf32, #tpu.memory_space<hbm>>
    tpu.wait_indirect_dma semaphore(%arg14 : memref<!tpu.dma_semaphore, #tpu.memory_space<semaphore_mem>>) src(%dma_wait3A_77 : memref<10000x128xf32, #tpu.memory_space<hbm>>) dst(%arg10 : memref<80x128xf32, #tpu.memory_space<vmem>>)
    "tpu.region"() ({
      %run_scoped3A = tpu.sem_alloc : memref<!tpu.dma_semaphore, #tpu.memory_space<semaphore_mem>>
      %dma_start3A_104 = arith.constant 0 : i32
      %dma_start3A_105 = arith.constant 0 : i32
      %dma_start3A_106 = tpu.memref_slice %arg13[%dma_start3A_104, %dma_start3A_105] : memref<10000x128xf32, #tpu.memory_space<vmem_shared>> -> memref<10000x128xf32, #tpu.memory_space<vmem_shared>>
      tpu.enqueue_indirect_dma source(%arg10 : memref<80x128xf32, #tpu.memory_space<vmem>>) target(%dma_start3A_106 : memref<10000x128xf32, #tpu.memory_space<vmem_shared>>) offsets(%arg8 : memref<80xi32, #tpu.memory_space<vmem>>) semaphore(%run_scoped3A : memref<!tpu.dma_semaphore, #tpu.memory_space<semaphore_mem>>) {add = true}
      %dma_wait3A_107 = arith.constant 0 : i32
      %dma_wait3A_108 = arith.constant 0 : i32
      %dma_wait3A_109 = tpu.memref_slice %arg13[%dma_wait3A_107, %dma_wait3A_108] : memref<10000x128xf32, #tpu.memory_space<vmem_shared>> -> memref<10000x128xf32, #tpu.memory_space<vmem_shared>>
      tpu.wait_indirect_dma semaphore(%run_scoped3A : memref<!tpu.dma_semaphore, #tpu.memory_space<semaphore_mem>>) src(%arg10 : memref<80x128xf32, #tpu.memory_space<vmem>>) dst(%dma_wait3A_109 : memref<10000x128xf32, #tpu.memory_space<vmem_shared>>)
      tpu.yield
    }) : () -> ()
    %get3A_78 = arith.constant 0 : index
    %get3A_79 = tpu.vector_load %arg8[%get3A_78] {strides = array<i32>} : memref<80xi32, #tpu.memory_space<vmem>>, vector<16xi32>,
    tpu.vector_store_idx %arg12[%get3A_79], %broadcast_in_dim3A_41 {add = true} : memref<10000xf32, #tpu.memory_space<vmem>>[vector<16xi32>], vector<16xf32>,
    %get3A_80 = arith.constant 16 : index
    %get3A_81 = tpu.vector_load %arg8[%get3A_80] {strides = array<i32>} : memref<80xi32, #tpu.memory_space<vmem>>, vector<16xi32>,
    tpu.vector_store_idx %arg12[%get3A_81], %broadcast_in_dim3A_41 {add = true} : memref<10000xf32, #tpu.memory_space<vmem>>[vector<16xi32>], vector<16xf32>,
    %get3A_82 = arith.constant 32 : index
    %get3A_83 = tpu.vector_load %arg8[%get3A_82] {strides = array<i32>} : memref<80xi32, #tpu.memory_space<vmem>>, vector<16xi32>,
    tpu.vector_store_idx %arg12[%get3A_83], %broadcast_in_dim3A_41 {add = true} : memref<10000xf32, #tpu.memory_space<vmem>>[vector<16xi32>], vector<16xf32>,
    %get3A_84 = arith.constant 48 : index
    %get3A_85 = tpu.vector_load %arg8[%get3A_84] {strides = array<i32>} : memref<80xi32, #tpu.memory_space<vmem>>, vector<16xi32>,
    tpu.vector_store_idx %arg12[%get3A_85], %broadcast_in_dim3A_41 {add = true} : memref<10000xf32, #tpu.memory_space<vmem>>[vector<16xi32>], vector<16xf32>,
    %get3A_86 = arith.constant 64 : index
    %get3A_87 = tpu.vector_load %arg8[%get3A_86] {strides = array<i32>} : memref<80xi32, #tpu.memory_space<vmem>>, vector<16xi32>,
    tpu.vector_store_idx %arg12[%get3A_87], %broadcast_in_dim3A_41 {add = true} : memref<10000xf32, #tpu.memory_space<vmem>>[vector<16xi32>], vector<16xf32>,
    %barrier3A_88 = arith.constant 0 : index
    tpu.barrier barrier_id(%barrier3A_88)
    %mul3A_89 = arith.constant 10000 : i32
    %mul3A_90 = arith.muli %add3A, %mul3A_89 : i32
    %dma_start3A_91 = tpu.memref_slice %arg5[%mul3A_90] : memref<320000xf32, #tpu.memory_space<hbm>> -> memref<10000xf32, #tpu.memory_space<hbm>>
    %dma_start3A_92 = tpu.memref_slice %arg5[%mul3A_90] : memref<320000xf32, #tpu.memory_space<hbm>> -> memref<10000xf32, #tpu.memory_space<hbm>>
    tpu.enqueue_dma source(%arg12 : memref<10000xf32, #tpu.memory_space<vmem>>) target(%dma_start3A_92 : memref<10000xf32, #tpu.memory_space<hbm>>) target_semaphore(%arg14 : memref<!tpu.dma_semaphore, #tpu.memory_space<semaphore_mem>>)
    %scan3A_93 = arith.constant 0 : i32
    %scan3A_94 = arith.constant 0 : i32
    %scan3A_95 = arith.constant 8 : i32
    %scan3A_96 = arith.addi %scan3A_94, %scan3A_95 : i32
    %scan3A_97 = arith.constant 1 : i32
    %scan3A_98 = scf.for %scan3A_104 = %scan3A_94 to %scan3A_96 step %scan3A_97 iter_args(%scan3A_105 = %scan3A_93) -> (i32)  : i32 {
      %mul3A_106 = arith.constant 16 : i32
      %mul3A_107 = arith.muli %scan3A_104, %mul3A_106 : i32
      %add3A_108 = arith.addi %mul3A_107, %arg1 : i32
      %lt3A = arith.constant 125 : i32
      %lt3A_109 = arith.cmpi slt, %add3A_108, %lt3A : i32
      %convert_element_type3A = arith.extui %lt3A_109 : i1 to i32
      %cond3A = arith.constant 0 : i32
      %cond3A_110 = arith.cmpi ne, %convert_element_type3A, %cond3A : i32
      scf.if %cond3A_110 {
        %mul3A_112 = arith.constant 16 : i32
        %mul3A_113 = arith.muli %scan3A_104, %mul3A_112 : i32
        %add3A_114 = arith.addi %mul3A_113, %arg1 : i32
        %mul3A_115 = arith.constant 80 : i32
        %mul3A_116 = arith.muli %add3A_114, %mul3A_115 : i32
        "tpu.region"() ({
          %run_scoped3A = tpu.sem_alloc : memref<!tpu.dma_semaphore, #tpu.memory_space<semaphore_mem>>
          %dma_start3A_117 = arith.constant 0 : i32
          %dma_start3A_118 = tpu.memref_slice %arg4[%arg0, %mul3A_116, %dma_start3A_117] : memref<2x10000x128xf32, #tpu.memory_space<hbm>> -> memref<1x80x128xf32, #tpu.memory_space<hbm>>
          %dma_start3A_119 = tpu.memref_squeeze %dma_start3A_118 : memref<1x80x128xf32, #tpu.memory_space<hbm>> -> memref<80x128xf32, #tpu.memory_space<hbm>>
          %dma_start3A_120 = arith.constant 0 : i32
          %dma_start3A_121 = tpu.memref_slice %arg13[%mul3A_116, %dma_start3A_120] : memref<10000x128xf32, #tpu.memory_space<vmem_shared>> -> memref<80x128xf32, #tpu.memory_space<vmem_shared>>
          tpu.enqueue_dma source(%dma_start3A_121 : memref<80x128xf32, #tpu.memory_space<vmem_shared>>) target(%dma_start3A_119 : memref<80x128xf32, #tpu.memory_space<hbm>>) target_semaphore(%run_scoped3A : memref<!tpu.dma_semaphore, #tpu.memory_space<semaphore_mem>>)
          %dma_wait3A_122 = arith.constant 0 : i32
          %dma_wait3A_123 = tpu.memref_slice %arg4[%arg0, %mul3A_116, %dma_wait3A_122] : memref<2x10000x128xf32, #tpu.memory_space<hbm>> -> memref<1x80x128xf32, #tpu.memory_space<hbm>>
          %dma_wait3A_124 = tpu.memref_squeeze %dma_wait3A_123 : memref<1x80x128xf32, #tpu.memory_space<hbm>> -> memref<80x128xf32, #tpu.memory_space<hbm>>
          %dma_wait3A_125 = arith.constant 0 : i32
          %dma_wait3A_126 = tpu.memref_slice %arg13[%mul3A_116, %dma_wait3A_125] : memref<10000x128xf32, #tpu.memory_space<vmem_shared>> -> memref<80x128xf32, #tpu.memory_space<vmem_shared>>
          tpu.wait_dma2 semaphore(%run_scoped3A : memref<!tpu.dma_semaphore, #tpu.memory_space<semaphore_mem>>) src(%dma_wait3A_126 : memref<80x128xf32, #tpu.memory_space<vmem_shared>>) dst(%dma_wait3A_124 : memref<80x128xf32, #tpu.memory_space<hbm>>)
          tpu.yield
        }) : () -> ()
      } else {
      }
      %scan3A_111 = arith.constant 0 : i32
      scf.yield %scan3A_111 : i32
    }
    %scan3A_99 = arith.constant 8 : i32
    %mul3A_100 = arith.constant 10000 : i32
    %mul3A_101 = arith.muli %add3A, %mul3A_100 : i32
    %dma_wait3A_102 = tpu.memref_slice %arg5[%mul3A_101] : memref<320000xf32, #tpu.memory_space<hbm>> -> memref<10000xf32, #tpu.memory_space<hbm>>
    %dma_wait3A_103 = tpu.memref_slice %arg5[%mul3A_101] : memref<320000xf32, #tpu.memory_space<hbm>> -> memref<10000xf32, #tpu.memory_space<hbm>>
    tpu.wait_dma2 semaphore(%arg14 : memref<!tpu.dma_semaphore, #tpu.memory_space<semaphore_mem>>) src(%arg12 : memref<10000xf32, #tpu.memory_space<vmem>>) dst(%dma_wait3A_103 : memref<10000xf32, #tpu.memory_space<hbm>>)
    return
  }
}

module attributes {stable_mosaic.version = 14 : i64} {
  func.func @tc_body(%arg0: i32, %arg1: memref<2000x128xf32, #tpu.memory_space<vmem>>, %arg2: memref<128x128xf32, #tpu.memory_space<vmem>>, %arg3: memref<1x128xf32, #tpu.memory_space<vmem>>, %arg4: memref<2000x128xf32, #tpu.memory_space<vmem>>) attributes {dimension_semantics = [#tpu.dimension_semantics<arbitrary>], iteration_bounds = array<i64: 5>, scalar_prefetch = 0 : i64, scratch_operands = 0 : i64, tpu.core_type = #tpu.core_type<tc>, window_params = [{transform_indices = @transform_0, window_bounds = array<i64: 2000, 128>}, {pipeline_mode = #tpu.pipeline_mode<synchronous>, transform_indices = @transform_1, window_bounds = array<i64: 128, 128>}, {pipeline_mode = #tpu.pipeline_mode<synchronous>, transform_indices = @transform_2, window_bounds = array<i64: 1, 128>}, {transform_indices = @transform_3, window_bounds = array<i64: 2000, 128>}]} {
    %get3A = arith.constant 0 : index
    %get3A_0 = arith.constant 0 : index
    %get3A_1 = vector.load %arg1[%get3A, %get3A_0] : memref<2000x128xf32, #tpu.memory_space<vmem>>, vector<2000x128xf32>
    %get3A_2 = arith.constant 0 : index
    %get3A_3 = arith.constant 0 : index
    %get3A_4 = vector.load %arg2[%get3A_2, %get3A_3] : memref<128x128xf32, #tpu.memory_space<vmem>>, vector<128x128xf32>
    %dot_general3A = arith.constant dense<0.000000e+00> : vector<2000x128xf32>
    %dot_general3A_5 = tpu.matmul %get3A_1, %get3A_4, %dot_general3A {dimension_numbers = #tpu.dot_dimension_numbers<[1], [0], [0], [1], [0, 0, 1, 1], [], []>, transpose_lhs_hint = false} : vector<2000x128xf32>, vector<128x128xf32>, vector<2000x128xf32> -> vector<2000x128xf32>
    %get3A_6 = arith.constant 0 : index
    %get3A_7 = arith.constant 0 : index
    %get3A_8 = vector.load %arg3[%get3A_6, %get3A_7] : memref<1x128xf32, #tpu.memory_space<vmem>>, vector<1x128xf32>
    %add3A = vector.broadcast %get3A_8 : vector<1x128xf32> to vector<2000x128xf32>
    %add3A_9 = arith.addf %dot_general3A_5, %add3A : vector<2000x128xf32>
    %swap3A = arith.constant 0 : index
    %swap3A_10 = arith.constant 0 : index
    %swap3A_11 = vector.load %arg4[%swap3A, %swap3A_10] : memref<2000x128xf32, #tpu.memory_space<vmem>>, vector<2000x128xf32>
    tpu.vector_store %arg4[%swap3A, %swap3A_10], %add3A_9 {strides = array<i32>} : memref<2000x128xf32, #tpu.memory_space<vmem>>, vector<2000x128xf32>,
    return
  }
  func.func @transform_0(%arg0: i32) -> (i32, i32) {
    %c0_i32 = arith.constant 0 : i32
    %c0_i32_0 = arith.constant 0 : i32
    return %arg0, %c0_i32 : i32, i32
  }
  func.func @transform_1(%arg0: i32) -> (i32, i32) {
    %c0_i32 = arith.constant 0 : i32
    %c0_i32_0 = arith.constant 0 : i32
    %c0_i32_1 = arith.constant 0 : i32
    return %c0_i32, %c0_i32_0 : i32, i32
  }
  func.func @transform_2(%arg0: i32) -> (i32, i32) {
    %c0_i32 = arith.constant 0 : i32
    %c0_i32_0 = arith.constant 0 : i32
    %c0_i32_1 = arith.constant 0 : i32
    return %c0_i32, %c0_i32_0 : i32, i32
  }
  func.func @transform_3(%arg0: i32) -> (i32, i32) {
    %c0_i32 = arith.constant 0 : i32
    %c0_i32_0 = arith.constant 0 : i32
    return %arg0, %c0_i32 : i32, i32
  }
}

module attributes {stable_mosaic.version = 14 : i64} {
  func.func @tc_body(%arg0: memref<2x10000x128xf32, #tpu.memory_space<vmem>>, %arg1: memref<32x10000xf32, #tpu.memory_space<vmem>>, %arg2: memref<10000x128xf32, #tpu.memory_space<vmem>>, %arg3: memref<128x128xf32, #tpu.memory_space<vmem>>, %arg4: memref<10000x128xf32, #tpu.memory_space<vmem>>) attributes {dimension_semantics = [], scalar_prefetch = 0 : i64, scratch_operands = 0 : i64, tpu.core_type = #tpu.core_type<tc>} {
    %get3A = arith.constant 0 : index
    %get3A_0 = arith.constant 0 : index
    %get3A_1 = arith.constant 0 : index
    %get3A_2 = vector.load %arg0[%get3A, %get3A_0, %get3A_1] : memref<2x10000x128xf32, #tpu.memory_space<vmem>>, vector<1x10000x128xf32>
    %get3A_3 = vector.shape_cast %get3A_2 : vector<1x10000x128xf32> to vector<10000x128xf32>
    %get3A_4 = arith.constant 1 : index
    %get3A_5 = arith.constant 0 : index
    %get3A_6 = arith.constant 0 : index
    %get3A_7 = vector.load %arg0[%get3A_4, %get3A_5, %get3A_6] : memref<2x10000x128xf32, #tpu.memory_space<vmem>>, vector<1x10000x128xf32>
    %get3A_8 = vector.shape_cast %get3A_7 : vector<1x10000x128xf32> to vector<10000x128xf32>
    %add3A = arith.addf %get3A_3, %get3A_8 : vector<10000x128xf32>
    %get3A_9 = arith.constant 0 : index
    %get3A_10 = arith.constant 0 : index
    %get3A_11 = vector.load %arg1[%get3A_9, %get3A_10] : memref<32x10000xf32, #tpu.memory_space<vmem>>, vector<32x10000xf32>
    %reduce_sum3A = arith.constant dense<0.000000e+00> : vector<10000xf32>
    %reduce_sum3A_12 = vector.multi_reduction <add>, %get3A_11, %reduce_sum3A [0] : vector<32x10000xf32> to vector<10000xf32>
    %max3A = arith.constant 1.000000e+00 : f32
    %max3A_13 = vector.broadcast %max3A : f32 to vector<10000xf32>
    %max3A_14 = arith.maximumf %reduce_sum3A_12, %max3A_13 : vector<10000xf32>
    %div3A = arith.constant 1.000000e+00 : f32
    %div3A_15 = vector.broadcast %div3A : f32 to vector<10000xf32>
    %div3A_16 = arith.divf %div3A_15, %max3A_14 : vector<10000xf32>
    %broadcast_in_dim3A = vector.shape_cast %div3A_16 : vector<10000xf32> to vector<10000x1xf32>
    %mul3A = vector.broadcast %broadcast_in_dim3A : vector<10000x1xf32> to vector<10000x128xf32>
    %mul3A_17 = arith.mulf %add3A, %mul3A : vector<10000x128xf32>
    %get3A_18 = arith.constant 0 : index
    %get3A_19 = arith.constant 0 : index
    %get3A_20 = vector.load %arg3[%get3A_18, %get3A_19] : memref<128x128xf32, #tpu.memory_space<vmem>>, vector<128x128xf32>
    %dot_general3A = arith.constant dense<0.000000e+00> : vector<10000x128xf32>
    %dot_general3A_21 = tpu.matmul %mul3A_17, %get3A_20, %dot_general3A {dimension_numbers = #tpu.dot_dimension_numbers<[1], [0], [0], [1], [0, 0, 1, 1], [], []>, transpose_lhs_hint = false} : vector<10000x128xf32>, vector<128x128xf32>, vector<10000x128xf32> -> vector<10000x128xf32>
    %get3A_22 = arith.constant 0 : index
    %get3A_23 = arith.constant 0 : index
    %get3A_24 = vector.load %arg2[%get3A_22, %get3A_23] : memref<10000x128xf32, #tpu.memory_space<vmem>>, vector<10000x128xf32>
    %add3A_25 = arith.addf %dot_general3A_21, %get3A_24 : vector<10000x128xf32>
    %swap3A = arith.constant 0 : index
    %swap3A_26 = arith.constant 0 : index
    %swap3A_27 = vector.load %arg4[%swap3A, %swap3A_26] : memref<10000x128xf32, #tpu.memory_space<vmem>>, vector<10000x128xf32>
    tpu.vector_store %arg4[%swap3A, %swap3A_26], %add3A_25 {strides = array<i32>} : memref<10000x128xf32, #tpu.memory_space<vmem>>, vector<10000x128xf32>,
    return
  }
}

</mosaic_0001>

<sc_bundles>
// kernel: kernel.5.cloned.1.call-start
scs
__scs_entry_jumppad:
0x0: {  	(pc) =	sbr.rel $0x88, $3  }
0x1: {  	(tag) =	ssettag $0x0;
	lr =	simm.s32 $0x1  }
0x2: {  	[smem:$0x3F9C] =	sst lr;
	_ =	strace $0xD0000000  }
0x3: {  	_ = 	snop  }
0x4: {  	_ = 	snop  }
0x5: {  	_ = 	snop  }
0x6: {  	_ = 	snop  }
0x7: {  	_ = 	snop  }
__scs_overlays_trampoline_lowered:
0x8: {  	[smem:$0x3FAB] =	sst s0  }
0x9: {  	[smem:$0x3FAC] =	sst s1  }
0xa: {  	[smem:$0x3FAD] =	sst s2  }
0xb: {  	[smem:$0x3FAE] =	sst s3  }
0xc: {  	[smem:$0x3FAF] =	sst s4  }
0xd: {  	[smem:$0x3FB0] =	sst s5  }
0xe: {  	[smem:$0x3FB1] =	sst s6  }
0xf: {  	[smem:$0x3FB2] =	sst s7  }
0x10: {  	[smem:$0x3FB3] =	sst s8  }
0x11: {  	[smem:$0x3FB4] =	sst s9;
	s0 =	simm.s32 @!p0 $0x0  }
0x12: {  	s1 =	sld [smem:$0x3F9A];
	s0 =	simm.s32 @p0 $0x1  }
0x13: {  	[smem:$0x3FB5] =	sst s0;
	s0 =	simm.s32 @!p1 $0x0  }
0x14: {  	s2 =	sld [smem:$0x3F99];
	s0 =	simm.s32 @p1 $0x1  }
0x15: {  	[smem:$0x3FB6] =	sst s0;
	s0 =	simm.s32 @!p2 $0x0  }
0x16: {  	s3 =	sld [smem:$0x3FDB];
	s0 =	simm.s32 @p2 $0x1  }
0x17: {  	s4 =	simm.s32 $0x1BF5;
	[smem:$0x3FB8] =	sst s0  }
0x18: {  	s0 =	sld [smem:$0x3F9B];
	_ =	swait.ge [sflag:s4], $0x0  }
0x19: {  	s7 =	sld [smem:$0x3F9C]  }
0x1a: {  	s8 =	sadd.s32 $0xFFFFE003, lr  }
0x1b: {  	s9 =	sadd.s32 $0xFFFFFEF7, lr;
	s5 =	simm.s32 $0xFFFFFFFF;
	p2 =	slt.u32 s8, $0xFFFFF086  }
0x1c: {  	p1 =	slt.u32 s9, $0xF7A;
	s5 =	simm.s32 @!p2 $0x0  }
0x1d: {  	s5 =	simm.s32 @p1 $0x1;
	p0 =	seq.s32 s7, s2  }
0x1e: {  	s7 =	smul.u32 @!p0 $0xF7A, s2;
	p2 =	seq.s32 @!p0 s5, $0x0  }
0x1f: {  	s9 =	smul.u32 $0xF7A, s1;
	s8 =	simm.s32 @!p0 $0x1BF5;
	p2 =	por !p2, p0  }
0x20: {  	[sflag:s8] =	ssyncset.s32 @!p0 $0xFFFFF086;
	s6 =	sadd.s32 @!p0 s3, s7;
	s7 =	simm.s32 @!p0 $0x108  }
0x21: {  	s3 =	sadd.s32 s3, s9;
	s6 =	sadd.s32 @!p0 $0x88, s6;
	s7 =	simm.s32 @p2 $0x1082  }
0x22: {  	[simem:s7], [sflag:s8] =	dma.local @!p0 [hbm:s6], $0xF7A  }
0x23: {  	s9 =	sor.u32 $0xD0000000, s2;
	s6 =	simm.s32 $0x108;
	_ =	swait.ge @!p0 [sflag:s8], $0x0  }
0x24: {  	s3 =	sadd.s32 $0x88, s3;
	s6 =	simm.s32 @!p1 $0x1082;
	[sflag:s4] =	ssyncset.s32 $0xFFFFF086  }
0x25: {  	[simem:s6], [sflag:s4] =	dma.local [hbm:s3], $0xF7A  }
0x26: {  	[smem:$0x3F9C] =	sst s1;
	(tag) =	ssettag s2;
	_ =	strace s9  }
0x27: {  	s1 =	sld [smem:$0x3FAC]  }
0x28: {  	s2 =	sld [smem:$0x3FAD]  }
0x29: {  	s4 =	sld [smem:$0x3FAF]  }
0x2a: {  	p0 =	seq.s32 s5, $0x0;
	s5 =	sld [smem:$0x3FB0]  }
0x2b: {  	s6 =	sld [smem:$0x3FB1]  }
0x2c: {  	s7 =	sld [smem:$0x3FB2]  }
0x2d: {  	s3 =	simm.s32 $0x108;
	s8 =	sld [smem:$0x3FB3]  }
0x2e: {  	s3 =	simm.s32 @!p0 $0x1082;
	s9 =	sld [smem:$0x3FB4]  }
0x2f: {  	lr =	sadd.s32 s0, s3;
	s0 =	sld [smem:$0x3FAB]  }
0x30: {  	s3 =	sld [smem:$0x3FAE]  }
0x31: {  	[smem:$0x3FB7] =	sst s10  }
0x32: {  	s10 =	sld [smem:$0x3FB5];
	_ =	sdelay $0x3  }
0x33: {  	p0 =	seq.s32 s10, $0x1;
	s10 =	sld [smem:$0x3FB7];
	_ =	sdelay $0x3  }
0x34: {  	[smem:$0x3FB7] =	sst s10  }
0x35: {  	s10 =	sld [smem:$0x3FB6];
	_ =	sdelay $0x3  }
0x36: {  	p1 =	seq.s32 s10, $0x1;
	s10 =	sld [smem:$0x3FB7];
	_ =	sdelay $0x3  }
0x37: {  	[smem:$0x3FB7] =	sst s10  }
0x38: {  	s10 =	sld [smem:$0x3FB8]  }
0x39: {  	_ = 	snop;
	(pc) =	sbr.ind lr, $3  }
0x3a: {  	_ = 	snop  }
0x3b: {  	_ = 	snop  }
0x3c: {  	p2 =	seq.s32 s10, $0x1;
	s10 =	sld [smem:$0x3FB7]  }
0x3d: {  	_ =	shalt  }
0x3e: {  	_ =	shalt  }
0x3f: {  	_ =	shalt  }
0x40: {  	_ =	shalt  }
0x41: {  	_ =	shalt  }
0x42: {  	_ =	shalt  }
0x43: {  	_ =	shalt  }
0x44: {  	_ =	shalt  }
0x45: {  	_ =	shalt  }
0x46: {  	_ =	shalt  }
0x47: {  	_ =	shalt  }
0x48: {  	_ =	shalt  }
0x49: {  	_ =	shalt  }
0x4a: {  	_ =	shalt  }
0x4b: {  	_ =	shalt  }
0x4c: {  	_ =	shalt  }
0x4d: {  	_ =	shalt  }
0x4e: {  	_ =	shalt  }
0x4f: {  	_ =	shalt  }
0x50: {  	_ =	shalt  }
0x51: {  	_ =	shalt  }
0x52: {  	_ =	shalt  }
0x53: {  	_ =	shalt  }
0x54: {  	_ =	shalt  }
0x55: {  	_ =	shalt  }
0x56: {  	_ =	shalt  }
0x57: {  	_ =	shalt  }
0x58: {  	_ =	shalt  }
0x59: {  	_ =	shalt  }
0x5a: {  	_ =	shalt  }
0x5b: {  	_ =	shalt  }
0x5c: {  	_ =	shalt  }
0x5d: {  	_ =	shalt  }
0x5e: {  	_ =	shalt  }
0x5f: {  	_ =	shalt  }
0x60: {  	_ =	shalt  }
0x61: {  	_ =	shalt  }
0x62: {  	_ =	shalt  }
0x63: {  	_ =	shalt  }
0x64: {  	_ =	shalt  }
0x65: {  	_ =	shalt  }
0x66: {  	_ =	shalt  }
0x67: {  	_ =	shalt  }
0x68: {  	_ =	shalt  }
0x69: {  	_ =	shalt  }
0x6a: {  	_ =	shalt  }
0x6b: {  	_ =	shalt  }
0x6c: {  	_ =	shalt  }
0x6d: {  	_ =	shalt  }
0x6e: {  	_ =	shalt  }
0x6f: {  	_ =	shalt  }
0x70: {  	_ =	shalt  }
0x71: {  	_ =	shalt  }
0x72: {  	_ =	shalt  }
0x73: {  	_ =	shalt  }
0x74: {  	_ =	shalt  }
0x75: {  	_ =	shalt  }
0x76: {  	_ =	shalt  }
0x77: {  	_ =	shalt  }
0x78: {  	_ =	shalt  }
0x79: {  	_ =	shalt  }
0x7a: {  	_ =	shalt  }
0x7b: {  	_ =	shalt  }
0x7c: {  	_ =	shalt  }
0x7d: {  	_ =	shalt  }
0x7e: {  	_ =	shalt  }
0x7f: {  	_ =	shalt  }
0x80: {  	_ =	shalt  }
0x81: {  	_ =	shalt  }
0x82: {  	_ =	shalt  }
0x83: {  	_ =	shalt  }
0x84: {  	_ =	shalt  }
0x85: {  	_ =	shalt  }
0x86: {  	_ =	shalt  }
0x87: {  	_ =	shalt  }
.Lfunc_end0:
.L_simem_size_0:
called_computation_lowered:
.L_overlay_start_0:
0x88: {  	s2 =	sld [smem:$0x3FD9]  }
0x89: {  	s3 =	sld [smem:$0x3FFE];
	_ =	sdelay $0x1  }
0x8a: {  	s1 =	srdreg.scid  }
0x8b: {  	s0 =	sand.u32 $0x1, s1  }
0x8c: {  	s17 =	sshll.u32 s0, $0xA;
	s2 =	sadd.s32 s3, s2  }
0x8d: {  	s2 =	sadd.s32 s2, s17  }
0x8e: {  	[smem:$0x3FC3] =	sst s2  }
0x8f: {  	_ = 	snop  }
0x90: {  	s2 =	sld [smem:$0x3FC8]  }
0x91: {  	s18 =	sld [smem:$0x3FD0];
	(tm) =	ssettm $0x1  }
0x92: {  	s4 =	sld [smem:$0x3FFB];
	_ =	sdelay $0x3  }
0x93: {  	_ =	strace s4  }
0x94: {  	s4 =	sld [smem:$0x3FFC];
	_ =	sdelay $0x3  }
0x95: {  	_ =	strace s4  }
0x96: {  	s4 =	sld [smem:$0x3FFD];
	_ =	sdelay $0x3  }
0x97: {  	_ =	strace s4  }
0x98: {  	_ =	strace $0x8FFFFFFF  }
0x99: {  	s19 =	sld [smem:$0x3FDB];
	_ =	sdelay $0x1  }
0x9a: {  	s5 =	simm.s32 $_scs_section_size  }
0x9b: {  	s6 =	simm.s32 $_size__tile_overlayer_lowered;
	s7 =	simm.s32 $_tile_overlayer_lowered  }
0x9c: {  	s22 =	simm.s32 $0x1BFF;
	s21 =	sshll.u32 s7, $0x1;
	s4 =	sadd.s32 s5, s19  }
0x9d: {  	s8 =	simm.s32 $0x0;
	s20 =	sshll.u32 s6, $0x1;
	s6 =	sadd.s32 s21, s4  }
0x9e: {  	[timem:s8], [sflag:s22] =	dma.local [hbm:s6], s20  }
0x9f: {  	_ =	swait.ge [sflag:s22], s20  }
0xa0: {  	s5 =	ssub.s32 $0x0, s20;
	[sflag:s22] =	ssyncset.done $0x0  }
0xa1: {  	[sflag:s22] =	ssyncadd.s32 s5;
	_ =	sdelay $0x1  }
0xa2: {  	s23 =	simm.s32 $0x1B8B  }
0xa3: {  	_ =	swait.ge [sflag:s23], $0x1  }
0xa4: {  	[sflag:s23] =	ssyncset.done $0x0  }
0xa5: {  	s25 =	simm.s32 $0x1B8E;
	s24 =	sld [smem:$0x3FFE];
	[sflag:s23] =	ssyncadd.s32 $0xFFFFFFFF  }
0xa6: {  	s26 =	simm.s32 $execute0_lowered;
	[smem:$0x3FD2] =	sst s25  }
0xa7: {  	s6 =	sshll.u32 s26, $0x1;
	_ =	strace $0x80000046;
	[dreg:$0x1] =	wrdreg $0xFFFFFFFF  }
0xa8: {  	s28 =	simm.s32 $_size_execute0_lowered;
	s4 =	sadd.s32 s4, s6;
	[dreg:$0x0] =	wrdreg $0x0  }
0xa9: {  	s6 =	sshll.u32 s28, $0x1;
	[dreg:$0x2] =	wrdreg s4  }
0xaa: {  	[dreg:$0x3] =	wrdreg s6  }
0xab: {  	[dreg:$0x4] =	wrdreg $0xC0  }
0xac: {  	_ =	task [dreg:s8], $0x5FFFF  }
0xad: {  	[dreg:$0x1] =	wrdreg $0xFFFFFFFF  }
0xae: {  	[dreg:$0x0] =	wrdreg $0x60  }
0xaf: {  	[dreg:$0x2] =	wrdreg s18  }
0xb0: {  	[dreg:$0x3] =	wrdreg s2  }
0xb1: {  	[dreg:$0x4] =	wrdreg s24  }
0xb2: {  	[dreg:$0x5] =	wrdreg $0xC7800  }
0xb3: {  	[dreg:$0x6] =	wrdreg $0x9  }
0xb4: {  	_ =	task.clear_ibuf [dreg:s8], $0x7FFFF;
	_ =	strace $0x90000046  }
0xb5: {  	s29 =	simm.s32 $0x9;
	_ =	strace $0x80000048  }
0xb6: {  	_ =	swait.ge [sflag:s29], $0x1  }
0xb7: {  	[sflag:s29] =	ssyncadd.s32 $0xFFFFFFFF  }
0xb8: {  	_ =	strace $0x90000048  }
0xb9: {  	_ =	sfence  }
0xba: {  	s30 =	sld [smem:$0x0];
	_ =	sdelay $0x2  }
0xbb: {  	s31 =	sshll.u32 s1, $0xD;
	s1 =	sshrl.u32 s1, $0x2  }
0xbc: {  	s3 =	sand.u32 $0x4000, s31;
	s1 =	sadd.s32 s1, s30  }
0xbd: {  	s0 =	sor.u32 s3, s0;
	s1 =	sshll.u32 s1, $0x11  }
0xbe: {  	s0 =	sor.u32 s1, s0  }
0xbf: {  	s0 =	sadd.s32 $0x8F2B, s0  }
0xc0: {  	[sflag:s0] =	ssyncadd.remote.s32 $0x1  }
0xc1: {  	_ =	sfence.sel $0xFFFF  }
0xc2: {  	[dreg:$0x0] =	wrdreg $0xFFFFFFFF;
	(pc) =	sbr.abs _section_cstart, $3  }
0xc3: {  	[dreg:$0x1] =	wrdreg $0xFFFFFFFF  }
0xc4: {  	_ =	task.clear_ibuf [dreg:s8], $0x2FFFF;
	_ =	strace $0x9FFFFFFF  }
0xc5: {  	(tm) =	ssettm $0x7FFFFFFF  }
tec
execute0_lowered:
.L_overlay_start_1:
0x0: {  	(tag) =	ssettag $0x1  }
0x1: {  	s19 =	stileid.u32  }
0x2: {  	s0 =	srdreg.scid;
	s8 =	smul.u32 $0xA000, s19  }
0x3: {  	s2 =	rddreg [dreg:$0x0];
	s0 =	sand.u32 $0x1, s0;
	s12 =	smul.u32 $0x2800, s19  }
0x4: {  	s1 =	rddreg [dreg:$0x1];
	s9 =	sor.u32 $0x10, s19;
	s7 =	smul.u32 $0x138800, s0  }
0x5: {  	s5 =	rddreg [dreg:$0x2];
	s10 =	smul.u32 $0xA000, s9  }
0x6: {  	s28 =	simm.s32 $0x3;
	s13 =	sor.u32 $0x20, s19;
	s9 =	smul.u32 $0x2800, s9  }
0x7: {  	s29 =	simm.s32 $0x1;
	s15 =	sor.u32 $0x30, s19;
	s16 =	smul.u32 $0x2800, s13  }
0x8: {  	s30 =	simm.s32 $0x2;
	s18 =	sor.u32 $0x60, s19;
	s17 =	smul.u32 $0x2800, s15  }
0x9: {  	s31 =	simm.s32 $0x50;
	s25 =	sor.u32 $0x70, s19;
	s22 =	smul.u32 $0x2800, s18  }
0xa: {  	s11 =	sadd.s32 $0xB600, s5;
	s3 =	sshll.u32 s0, $0x4;
	s21 =	smul.u32 $0x2800, s25  }
0xb: {  	s0 =	ssub.s32 $0x2, s0;
	s13 =	smul.u32 $0xA000, s13;
	p0 =	sgt.u32 s25, $0x7C  }
0xc: {  	s4 =	sor.u32 s19, s3;
	s3 =	rddreg [dreg:$0x3];
	s14 =	sshrl.u32 s0, $0x1  }
0xd: {  	s6 =	smul.u32 $0x2710, s4;
	s4 =	simm.s32 $0x0;
	s0 =	ssub.s32 s0, s14  }
0xe: {  	s14 =	sor.u32 $0x40, s19;
	s12 =	sadd.s32 s7, s12;
	s20 =	sadd.s32 s7, s9  }
0xf: {  	s16 =	sadd.s32 s7, s16;
	s17 =	sadd.s32 s7, s17;
	s22 =	sadd.s32 s7, s22  }
0x10: {  	s9 =	sshrl.u32 s8, $0x2;
	s10 =	sshrl.u32 s10, $0x2;
	s24 =	smul.u32 $0x2800, s14  }
0x11: {  	[smem:$0x7FF] =	sst s4;
	s0 =	smax.u32 s0, $0x1;
	s14 =	smul.u32 $0xA000, s14  }
0x12: {  	s9 =	sadd.s32 s9, s3;
	s10 =	sadd.s32 s10, s3;
	s12 =	sshrl.u32 s12, $0x3  }
0x13: {  	_ =	strace $0x80000047;
	s6 =	sshrl.u32 s6, $0x3;
	[dreg:$0x8] =	wrdreg s0  }
0x14: {  	s12 =	sadd.s32 s11, s12;
	s5 =	sadd.s32 s6, s5;
	s23 =	sadd.s32 s2, s6  }
0x15: {  	s2 =	sor.u32 $0x50, s19;
	s6 =	sadd.s32 s7, s24;
	s8 =	sshrl.u32 s14, $0x2  }
0x16: {  	[dreg:$0x9] =	wrdreg s12;
	s12 =	smul.u32 $0xA000, s25;
	s25 =	simm.s32 $0x4F00  }
0x17: {  	s26 =	smul.u32 $0x2800, s2;
	[dreg:$0x5] =	wrdreg s23;
	s24 =	sadd.s32 $0x9C40, s23  }
0x18: {  	s5 =	sadd.s32 $0x1800, s5;
	s2 =	smul.u32 $0xA000, s2;
	[dreg:$0x6] =	wrdreg s24  }
0x19: {  	s23 =	smul.u32 $0xA000, s18;
	s6 =	sshrl.u32 s6, $0x3;
	[dreg:$0x7] =	wrdreg s5  }
0x1a: {  	s5 =	sshrl.u32 s13, $0x2;
	s19 =	sadd.s32 s7, s26;
	s7 =	sadd.s32 s7, s21  }
0x1b: {  	s26 =	smul.u32 $0xA000, s15;
	s15 =	sshrl.u32 s20, $0x3;
	s20 =	sshrl.u32 s16, $0x3  }
0x1c: {  	s21 =	sshrl.u32 s17, $0x3;
	s18 =	sadd.s32 s11, s15;
	s13 =	sadd.s32 s11, s20  }
0x1d: {  	s14 =	sadd.s32 s11, s21;
	s15 =	sadd.s32 s11, s6;
	s24 =	sshrl.u32 s19, $0x3  }
0x1e: {  	s7 =	sshrl.u32 s7, $0x3;
	s19 =	sadd.s32 s5, s3;
	s21 =	sadd.s32 s8, s3  }
0x1f: {  	s5 =	simm.s32 $0x4F80;
	s6 =	simm.s32 $0x0;
	s0 =	sshrl.u32 s26, $0x2  }
0x20: {  	[dreg:$0xa] =	wrdreg s18;
	s16 =	sadd.s32 s11, s24;
	s26 =	sshrl.u32 s22, $0x3  }
0x21: {  	s18 =	sadd.s32 s11, s7;
	s22 =	sshrl.u32 s2, $0x2;
	s24 =	sshrl.u32 s23, $0x2  }
0x22: {  	s2 =	simm.s32 $0x7800;
	s17 =	sadd.s32 s11, s26;
	s20 =	sadd.s32 s0, s3  }
0x23: {  	s26 =	sshrl.u32 s12, $0x2;
	s22 =	sadd.s32 s22, s3;
	s23 =	sadd.s32 s24, s3  }
0x24: {  	v0 =	vimm.f32 $0.0e+00;
	v1 =	vimm.f32 $1.000000000e+00;
	s0 =	simm.s32 $0xA000;
	s24 =	sadd.s32 s26, s3;
	s26 =	simm.s32 $0x5000  }
.LBB2_1:
0x25: {  	s7 =	rddreg [dreg:$0x5]  }
0x26: {  	[tilespmem:s4], [sflag:$0x1] =	stream.linear.gather [hbm4b:s7+s4], $0x2710, $0x38;
	v63 =	vld [tilespmem:$0x0]  }
0x27: {  	s12 =	rddreg [dreg:$0x6];
	s8 =	simm.s32 $0x2780  }
0x28: {  	[tilespmem:s8], [sflag:$0x2] =	stream.linear.gather [hbm4b:s12+s4], $0x2710, $0x38;
	v63 =	vld [tilespmem:$0x0]  }
0x29: {  	s8 =	simm.s32 $0x5040  }
0x2a: {  	[tilespmem:s8+$0xFFFFFFC0] =	vst v0  }
0x2b: {  	[tilespmem:s8+$0x30] =	vst v0  }
0x2c: {  	[tilespmem:s8+$0x20] =	vst v0  }
0x2d: {  	[tilespmem:s8+$0x10] =	vst v0  }
0x2e: {  	[tilespmem:s8+$0x0] =	vst v0  }
0x2f: {  	[tilespmem:s8+$0xFFFFFFF0] =	vst v0  }
0x30: {  	s11 =	simm.s32 $0x0;
	[tilespmem:s8+$0xFFFFFFE0] =	vst v0  }
.LBB2_2:
0x31: {  	s11 =	sadd.s32 $0x8, s11;
	[tilespmem:s8+$0xFFFFFFD0] =	vst v0;
	s8 =	sadd.s32 $0x80, s8;
	s7 =	simm.s32 $0xA040  }
0x32: {  	[tilespmem:s8+$0xFFFFFFC0] =	vst v0;
	p1 =	slt.u32 s11, $0x278  }
0x33: {  	[tilespmem:s8+$0x30] =	vst v0  }
.Ltmp0:
0x34: {  	[tilespmem:s8+$0x20] =	vst v0;
	(pc) =	sbr.rel @p1 .LBB2_2-.Ltmp0, $4  }
0x35: {  	[tilespmem:s8+$0x10] =	vst v0  }
0x36: {  	[tilespmem:s8+$0x0] =	vst v0  }
0x37: {  	[tilespmem:s8+$0xFFFFFFF0] =	vst v0  }
0x38: {  	[tilespmem:s8+$0xFFFFFFE0] =	vst v0  }
0x39: {  	[tilespmem:s8+$0xFFFFFFD0] =	vst v0  }
0x3a: {  	[tilespmem:s7+$0xFFFFFFC0] =	vst v0  }
0x3b: {  	[tilespmem:s7+$0x30] =	vst v0  }
0x3c: {  	[tilespmem:s7+$0x20] =	vst v0  }
0x3d: {  	[tilespmem:s7+$0x10] =	vst v0  }
0x3e: {  	[tilespmem:s7+$0x0] =	vst v0  }
0x3f: {  	[tilespmem:s7+$0xFFFFFFF0] =	vst v0  }
0x40: {  	s8 =	simm.s32 $0x0;
	[tilespmem:s7+$0xFFFFFFE0] =	vst v0  }
.LBB2_4:
0x41: {  	s8 =	sadd.s32 $0x8, s8;
	[tilespmem:s7+$0xFFFFFFD0] =	vst v0;
	s7 =	sadd.s32 $0x80, s7  }
0x42: {  	[tilespmem:s7+$0xFFFFFFC0] =	vst v0;
	p1 =	slt.u32 s8, $0x268  }
0x43: {  	[tilespmem:s7+$0x30] =	vst v0  }
.Ltmp1:
0x44: {  	[tilespmem:s7+$0x20] =	vst v0;
	(pc) =	sbr.rel @p1 .LBB2_4-.Ltmp1, $4  }
0x45: {  	[tilespmem:s7+$0x10] =	vst v0  }
0x46: {  	[tilespmem:s7+$0x0] =	vst v0  }
0x47: {  	[tilespmem:s7+$0xFFFFFFF0] =	vst v0  }
0x48: {  	[tilespmem:s7+$0xFFFFFFE0] =	vst v0  }
0x49: {  	[tilespmem:s7+$0xFFFFFFD0] =	vst v0  }
0x4a: {  	[tilespmem:$0xC700] =	vst v0  }
0x4b: {  	[spmem:s9] =	stream.linear.scatter [tilespmem:s26], [sflag:$0x3], $0x2800, $0x38;
	v63 =	vld [tilespmem:$0x0]  }
0x4c: {  	_ =	swait.ge [sflag:s28], $0x2800  }
0x4d: {  	[sflag:s28] =	ssyncset.done $0x0  }
0x4e: {  	[sflag:s28] =	ssyncadd.s32 $0xFFFFD800  }
0x4f: {  	[spmem:s10] =	stream.linear.scatter [tilespmem:s26], [sflag:$0x3], $0x2800, $0x38;
	v63 =	vld [tilespmem:$0x0]  }
0x50: {  	_ =	swait.ge [sflag:s28], $0x2800  }
0x51: {  	[sflag:s28] =	ssyncset.done $0x0  }
0x52: {  	[sflag:s28] =	ssyncadd.s32 $0xFFFFD800  }
0x53: {  	[spmem:s19] =	stream.linear.scatter [tilespmem:s26], [sflag:$0x3], $0x2800, $0x38;
	v63 =	vld [tilespmem:$0x0]  }
0x54: {  	_ =	swait.ge [sflag:s28], $0x2800  }
0x55: {  	[sflag:s28] =	ssyncset.done $0x0  }
0x56: {  	[sflag:s28] =	ssyncadd.s32 $0xFFFFD800  }
0x57: {  	[spmem:s20] =	stream.linear.scatter [tilespmem:s26], [sflag:$0x3], $0x2800, $0x38;
	v63 =	vld [tilespmem:$0x0]  }
0x58: {  	_ =	swait.ge [sflag:s28], $0x2800  }
0x59: {  	[sflag:s28] =	ssyncset.done $0x0  }
0x5a: {  	[sflag:s28] =	ssyncadd.s32 $0xFFFFD800  }
0x5b: {  	[spmem:s21] =	stream.linear.scatter [tilespmem:s26], [sflag:$0x3], $0x2800, $0x38;
	v63 =	vld [tilespmem:$0x0]  }
0x5c: {  	_ =	swait.ge [sflag:s28], $0x2800  }
0x5d: {  	[sflag:s28] =	ssyncset.done $0x0  }
0x5e: {  	[sflag:s28] =	ssyncadd.s32 $0xFFFFD800  }
0x5f: {  	[spmem:s22] =	stream.linear.scatter [tilespmem:s26], [sflag:$0x3], $0x2800, $0x38;
	v63 =	vld [tilespmem:$0x0]  }
0x60: {  	_ =	swait.ge [sflag:s28], $0x2800  }
0x61: {  	[sflag:s28] =	ssyncset.done $0x0  }
0x62: {  	[sflag:s28] =	ssyncadd.s32 $0xFFFFD800  }
0x63: {  	[spmem:s23] =	stream.linear.scatter [tilespmem:s26], [sflag:$0x3], $0x2800, $0x38;
	v63 =	vld [tilespmem:$0x0]  }
0x64: {  	_ =	swait.ge [sflag:s28], $0x2800  }
0x65: {  	[sflag:s28] =	ssyncset.done $0x0  }
0x66: {  	s7 =	simm.s32 @!p0 $0x5000;
	[sflag:s28] =	ssyncadd.s32 $0xFFFFD800  }
0x67: {  	[spmem:s24] =	stream.linear.scatter @!p0 [tilespmem:s7], [sflag:$0x3], $0x2800, $0x38;
	v63 =	vld [tilespmem:$0x0]  }
0x68: {  	s7 =	simm.s32 @!p0 $0x3  }
0x69: {  	_ =	swait.ge @!p0 [sflag:s7], $0x2800  }
0x6a: {  	[sflag:s7] =	ssyncset.done @!p0 $0x0  }
0x6b: {  	[sflag:s7] =	ssyncadd.s32 @!p0 $0xFFFFD800  }
0x6c: {  	_ =	swait.ge [sflag:s29], $0x2710  }
0x6d: {  	[sflag:s29] =	ssyncset.done $0x0  }
0x6e: {  	[sflag:s29] =	ssyncadd.s32 $0xFFFFD8F0  }
0x6f: {  	_ =	swait.ge [sflag:s30], $0x2710  }
0x70: {  	[sflag:s30] =	ssyncset.done $0x0  }
0x71: {  	[sflag:s30] =	ssyncadd.s32 $0xFFFFD8F0  }
0x72: {  	[bflag:$0x0] =	sbarrier.arrive $0xFFFF  }
0x73: {  	v2 =	vld [tilespmem:$0x2780]  }
0x74: {  	v3 =	vld [tilespmem:$0x2790]  }
0x75: {  	v4 =	vld [tilespmem:$0x27A0]  }
0x76: {  	v5 =	vld [tilespmem:$0x27B0]  }
0x77: {  	v6 =	vld [tilespmem:$0x27C0]  }
0x78: {  	[tilespmem:$0x4F00] =	vst v2  }
0x79: {  	[tilespmem:$0x4F10] =	vst v3  }
0x7a: {  	[tilespmem:$0x4F20] =	vst v4  }
0x7b: {  	[tilespmem:$0x4F30] =	vst v5  }
0x7c: {  	s8 =	simm.s32 $0x0;
	s11 =	simm.s32 $0x27F0;
	s7 =	simm.s32 $0x50;
	[tilespmem:$0x4F40] =	vst v6  }
0x7d: {  	[tilespmem:s26], [sflag:$0x1] =	stream.indirect.gather [hbm4b:s1+s7], $0x80, s8, s7, $0xb8;
	v63 =	vld [tilespmem:$0x0]  }
.LBB2_6:
0x7e: {  	v2 =	vld [tilespmem:s11+$0xFFFFFFE0];
	_ =	sdelay $0x4  }
0x7f: {  	[tilespmem:$0x4F80] =	vst v2  }
0x80: {  	v2 =	vld [tilespmem:s11+$0xFFFFFFF0];
	_ =	sdelay $0x4  }
0x81: {  	[tilespmem:$0x4F90] =	vst v2  }
0x82: {  	v2 =	vld [tilespmem:s11+$0x0];
	_ =	sdelay $0x4  }
0x83: {  	s12 =	sand.u32 $0x3FE0, s8;
	[tilespmem:$0x4FA0] =	vst v2  }
0x84: {  	v2 =	vld [tilespmem:s12+$0x2800];
	_ =	sdelay $0x4  }
0x85: {  	[tilespmem:$0x4FB0] =	vst v2  }
0x86: {  	v2 =	vld [tilespmem:s11+$0x20];
	_ =	sdelay $0x4  }
0x87: {  	[tilespmem:$0x4FC0] =	vst v2  }
0x88: {  	[tilespmem:s2], [sflag:$0x2] =	stream.indirect.gather [hbm4b:s1+s31], $0x80, s7, s31, $0xb8;
	v63 =	vld [tilespmem:$0x0]  }
0x89: {  	_ =	swait.ge [sflag:s29], $0x2800  }
0x8a: {  	[sflag:s29] =	ssyncset.done $0x0  }
0x8b: {  	[sflag:s29] =	ssyncadd.s32 $0xFFFFD800  }
0x8c: {  	[spmem:s3] =	stream.indirect.scatter.add.f32 [tilespmem:s26], [sflag:$0x3], $0x80, s25, s31, $0xb8;
	v63 =	vld [tilespmem:$0x0]  }
0x8d: {  	_ =	swait.ge [sflag:s28], $0x2800  }
0x8e: {  	[sflag:s28] =	ssyncset.done $0x0  }
0x8f: {  	[sflag:s28] =	ssyncadd.s32 $0xFFFFD800  }
0x90: {  	v2 =	vld [tilespmem:$0x4F00];
	_ =	sdelay $0x7  }
0x91: {  	[tilespmem:v2+s0+$0x0] =	vst.idx.add.f32.msk $0xffff, v1  }
0x92: {  	v2 =	vld [tilespmem:$0x4F10];
	_ =	sdelay $0x7  }
0x93: {  	[tilespmem:v2+s0+$0x0] =	vst.idx.add.f32.msk $0xffff, v1  }
0x94: {  	v2 =	vld [tilespmem:$0x4F20];
	_ =	sdelay $0x7  }
0x95: {  	[tilespmem:v2+s0+$0x0] =	vst.idx.add.f32.msk $0xffff, v1  }
0x96: {  	v2 =	vld [tilespmem:$0x4F30];
	_ =	sdelay $0x7  }
0x97: {  	[tilespmem:v2+s0+$0x0] =	vst.idx.add.f32.msk $0xffff, v1  }
0x98: {  	v2 =	vld [tilespmem:$0x4F40];
	_ =	sdelay $0x7  }
0x99: {  	[tilespmem:v2+s0+$0x0] =	vst.idx.add.f32.msk $0xffff, v1  }
0x9a: {  	v2 =	vld [tilespmem:s11+$0x30];
	_ =	sdelay $0x4  }
0x9b: {  	[tilespmem:$0x4F00] =	vst v2  }
0x9c: {  	v2 =	vld [tilespmem:s11+$0x40];
	_ =	sdelay $0x4  }
0x9d: {  	[tilespmem:$0x4F10] =	vst v2  }
0x9e: {  	v2 =	vld [tilespmem:s11+$0x50];
	_ =	sdelay $0x4  }
0x9f: {  	[tilespmem:$0x4F20] =	vst v2  }
0xa0: {  	v2 =	vld [tilespmem:s11+$0x60];
	_ =	sdelay $0x4  }
0xa1: {  	[tilespmem:$0x4F30] =	vst v2  }
0xa2: {  	v2 =	vld [tilespmem:s11+$0x70];
	_ =	sdelay $0x4  }
0xa3: {  	s12 =	sadd.s32 $0x50, s7;
	[tilespmem:$0x4F40] =	vst v2  }
0xa4: {  	[tilespmem:s26], [sflag:$0x1] =	stream.indirect.gather [hbm4b:s1+s31], $0x80, s12, s31, $0xb8;
	v63 =	vld [tilespmem:$0x0]  }
0xa5: {  	_ =	swait.ge [sflag:s30], $0x2800  }
0xa6: {  	[sflag:s30] =	ssyncset.done $0x0  }
0xa7: {  	[sflag:s30] =	ssyncadd.s32 $0xFFFFD800  }
0xa8: {  	[spmem:s3] =	stream.indirect.scatter.add.f32 [tilespmem:s2], [sflag:$0x3], $0x80, s5, s31, $0xb8;
	v63 =	vld [tilespmem:$0x0]  }
0xa9: {  	_ =	swait.ge [sflag:s28], $0x2800  }
0xaa: {  	[sflag:s28] =	ssyncset.done $0x0  }
0xab: {  	[sflag:s28] =	ssyncadd.s32 $0xFFFFD800  }
0xac: {  	v2 =	vld [tilespmem:$0x4F80];
	_ =	sdelay $0x7  }
0xad: {  	[tilespmem:v2+s0+$0x0] =	vst.idx.add.f32.msk $0xffff, v1  }
0xae: {  	v2 =	vld [tilespmem:$0x4F90];
	_ =	sdelay $0x7  }
0xaf: {  	[tilespmem:v2+s0+$0x0] =	vst.idx.add.f32.msk $0xffff, v1  }
0xb0: {  	v2 =	vld [tilespmem:$0x4FA0];
	_ =	sdelay $0x7  }
0xb1: {  	[tilespmem:v2+s0+$0x0] =	vst.idx.add.f32.msk $0xffff, v1  }
0xb2: {  	v2 =	vld [tilespmem:$0x4FB0];
	_ =	sdelay $0x7  }
0xb3: {  	[tilespmem:v2+s0+$0x0] =	vst.idx.add.f32.msk $0xffff, v1  }
0xb4: {  	v2 =	vld [tilespmem:$0x4FC0];
	_ =	sdelay $0x2  }
0xb5: {  	p1 =	sne.s32 s8, $0x2620  }
.Ltmp2:
0xb6: {  	_ = 	snop;
	(pc) =	sbr.rel @p1 .LBB2_6-.Ltmp2, $2  }
0xb7: {  	_ =	sdelay $0x2  }
0xb8: {  	s8 =	sadd.s32 $0xA0, s8;
	s7 =	sadd.s32 $0xA0, s7;
	s11 =	sadd.s32 $0xA0, s11;
	[tilespmem:v2+s0+$0x0] =	vst.idx.add.f32.msk $0xffff, v1  }
0xb9: {  	_ =	swait.ge [sflag:s29], $0x2800  }
0xba: {  	[sflag:s29] =	ssyncset.done $0x0  }
0xbb: {  	[sflag:s29] =	ssyncadd.s32 $0xFFFFD800  }
0xbc: {  	[spmem:s3] =	stream.indirect.scatter.add.f32 [tilespmem:s26], [sflag:$0x3], $0x80, s25, s31, $0xb8;
	v63 =	vld [tilespmem:$0x0]  }
0xbd: {  	_ =	swait.ge [sflag:s28], $0x2800  }
0xbe: {  	[sflag:s28] =	ssyncset.done $0x0  }
0xbf: {  	[sflag:s28] =	ssyncadd.s32 $0xFFFFD800  }
0xc0: {  	v2 =	vld [tilespmem:$0x4F00];
	_ =	sdelay $0x7  }
0xc1: {  	[tilespmem:v2+s0+$0x0] =	vst.idx.add.f32.msk $0xffff, v1  }
0xc2: {  	v2 =	vld [tilespmem:$0x4F10];
	_ =	sdelay $0x7  }
0xc3: {  	[tilespmem:v2+s0+$0x0] =	vst.idx.add.f32.msk $0xffff, v1  }
0xc4: {  	v2 =	vld [tilespmem:$0x4F20];
	_ =	sdelay $0x7  }
0xc5: {  	[tilespmem:v2+s0+$0x0] =	vst.idx.add.f32.msk $0xffff, v1  }
0xc6: {  	v2 =	vld [tilespmem:$0x4F30];
	_ =	sdelay $0x7  }
0xc7: {  	[tilespmem:v2+s0+$0x0] =	vst.idx.add.f32.msk $0xffff, v1  }
0xc8: {  	v2 =	vld [tilespmem:$0x4F40];
	_ =	sdelay $0x7  }
0xc9: {  	[tilespmem:v2+s0+$0x0] =	vst.idx.add.f32.msk $0xffff, v1  }
0xca: {  	[bflag:$0x0] =	sbarrier.arrive $0xFFFF  }
0xcb: {  	s8 =	stileid.u32;
	s7 =	rddreg [dreg:$0x7]  }
0xcc: {  	[hbm4b:s7+s4] =	stream.linear.scatter [tilespmem:s0], [sflag:$0x1], $0x2710, $0x38;
	v63 =	vld [tilespmem:$0x0]  }
0xcd: {  	s7 =	sshll.u32 s8, $0x6  }
0xce: {  	s11 =	rddreg [dreg:$0x9];
	s8 =	sshrl.u32 s9, $0x3;
	s7 =	sor.u32 $0x1C03, s7  }
0xcf: {  	[hbm:s11], [sflag:s7] =	dma.local [spmem:s8], $0x500  }
0xd0: {  	_ =	swait.ge [sflag:s28], $0x500  }
0xd1: {  	[sflag:s28] =	ssyncset.done $0x0  }
0xd2: {  	s11 =	sshrl.u32 s10, $0x3;
	s12 =	rddreg [dreg:$0xa];
	[sflag:s28] =	ssyncadd.s32 $0xFFFFFB00  }
0xd3: {  	[hbm:s12], [sflag:s7] =	dma.local [spmem:s11], $0x500  }
0xd4: {  	_ =	swait.ge [sflag:s28], $0x500  }
0xd5: {  	[sflag:s28] =	ssyncset.done $0x0  }
0xd6: {  	s11 =	sshrl.u32 s19, $0x3;
	[sflag:s28] =	ssyncadd.s32 $0xFFFFFB00  }
0xd7: {  	[hbm:s13], [sflag:s7] =	dma.local [spmem:s11], $0x500  }
0xd8: {  	_ =	swait.ge [sflag:s28], $0x500  }
0xd9: {  	[sflag:s28] =	ssyncset.done $0x0  }
0xda: {  	s12 =	sshrl.u32 s20, $0x3;
	[sflag:s28] =	ssyncadd.s32 $0xFFFFFB00  }
0xdb: {  	[hbm:s14], [sflag:s7] =	dma.local [spmem:s12], $0x500  }
0xdc: {  	_ =	swait.ge [sflag:s28], $0x500  }
0xdd: {  	[sflag:s28] =	ssyncset.done $0x0  }
0xde: {  	s11 =	sshrl.u32 s21, $0x3;
	[sflag:s28] =	ssyncadd.s32 $0xFFFFFB00  }
0xdf: {  	[hbm:s15], [sflag:s7] =	dma.local [spmem:s11], $0x500  }
0xe0: {  	_ =	swait.ge [sflag:s28], $0x500  }
0xe1: {  	[sflag:s28] =	ssyncset.done $0x0  }
0xe2: {  	s12 =	sshrl.u32 s22, $0x3;
	[sflag:s28] =	ssyncadd.s32 $0xFFFFFB00  }
0xe3: {  	[hbm:s16], [sflag:s7] =	dma.local [spmem:s12], $0x500  }
0xe4: {  	_ =	swait.ge [sflag:s28], $0x500  }
0xe5: {  	[sflag:s28] =	ssyncset.done $0x0  }
0xe6: {  	s11 =	sshrl.u32 s23, $0x3;
	[sflag:s28] =	ssyncadd.s32 $0xFFFFFB00  }
0xe7: {  	[hbm:s17], [sflag:s7] =	dma.local [spmem:s11], $0x500  }
0xe8: {  	_ =	swait.ge [sflag:s28], $0x500  }
0xe9: {  	[sflag:s28] =	ssyncset.done $0x0  }
0xea: {  	s8 =	sshrl.u32 @!p0 s24, $0x3;
	[sflag:s28] =	ssyncadd.s32 $0xFFFFFB00  }
0xeb: {  	[hbm:s18], [sflag:s7] =	dma.local @!p0 [spmem:s8], $0x500  }
0xec: {  	s7 =	simm.s32 @!p0 $0x3  }
0xed: {  	_ =	swait.ge @!p0 [sflag:s7], $0x500  }
0xee: {  	[sflag:s7] =	ssyncset.done @!p0 $0x0  }
0xef: {  	[sflag:s7] =	ssyncadd.s32 @!p0 $0xFFFFFB00  }
0xf0: {  	_ =	swait.ge [sflag:s29], $0x2710  }
0xf1: {  	s6 =	sadd.s32 $0x1, s6;
	s12 =	rddreg [dreg:$0x8]  }
0xf2: {  	p1 =	sne.s32 s6, s12  }
.Ltmp3:
0xf3: {  	_ = 	snop;
	(pc) =	sbr.rel @p1 .LBB2_1-.Ltmp3, $3  }
0xf4: {  	_ =	sdelay $0x1  }
0xf5: {  	[sflag:s29] =	ssyncset.done $0x0  }
0xf6: {  	[sflag:s29] =	ssyncadd.s32 $0xFFFFD8F0  }
0xf7: {  	_ =	sfence.sel $0x180000  }
0xf8: {  	[bflag:$0x0] =	sbarrier.arrive $0xFFFF  }
0xf9: {  	_ =	strace $0x90000047  }
0xfa: {  	s0 =	stileid.u32;
	[bflag:$0x2] =	sbarrier.arrive $0xFFFF  }
0xfb: {  	p0 =	sne.s32 s0, $0x0;
	s0 =	rddreg [dreg:$0x4]  }
0xfc: {  	s0 =	sadd.s32 @!p0 $0x100000, s0  }
0xfd: {  	[sflag:s0] =	ssyncadd.tile.s32 @!p0 $0x1;
	_ =	shalt  }
.Lfunc_end2:
_tile_overlayer_lowered:
.L_overlay_start_2:
0xfe: {  	(tag) =	ssettag $0x2  }
0xff: {  	s0 =	rddreg [dreg:$0x0];
	s2 =	stileid.u32  }
0x100: {  	s1 =	rddreg [dreg:$0x1];
	p0 =	sne.s32 s2, $0x0  }
0x101: {  	s3 =	rddreg [dreg:$0x2];
	[bflag:$0x3] =	sbarrier.arrive $0xFFFF;
	s2 =	simm.s32 @!p0 $0x1C03  }
0x102: {  	[timem:s3], [sflag:s2] =	dma.local @!p0 [hbm:s0], s1  }
0x103: {  	s0 =	simm.s32 @!p0 $0x3  }
0x104: {  	_ =	swait.ge @!p0 [sflag:s0], s1  }
0x105: {  	s1 =	ssub.s32 @!p0 $0x0, s1;
	[sflag:s0] =	ssyncset.done @!p0 $0x0  }
0x106: {  	[sflag:s0] =	ssyncadd.s32 @!p0 s1  }
0x107: {  	[bflag:$0x3] =	sbarrier.arrive $0xFFFF  }
0x108: {  	_ =	shalt  }

</sc_bundles>
